<compile_context>
chip_gen: v7x
topology: tpu7x:2x2x1
jax: 0.10.2.dev20260603
libtpu: 0.0.44.dev20260713+nightly
codegen_flags: <defaults>
</compile_context>

<pallas_src>
import functools

import jax
import jax.numpy as jnp
from jax import lax
from jax.experimental import pallas as pl
from jax.experimental.pallas import tpu as pltpu
from jax.experimental.pallas import tpu_sc as plsc

VOCAB = 1000000
HIDDEN = 64
OUT = 2
B = 4096
L = 200

NC = 2
NS = 16
NW = NC * NS
SPW = B // NW
LANES = 16
SGRP = SPW // LANES

VBLK = 32768
VGRID = -(-VOCAB // VBLK)
QPAD = VGRID * VBLK
CHUNK = QPAD // NS


def _proj_body(w_ref, tabT_ref, q_ref):
    p = jnp.dot(w_ref[...], tabT_ref[...],
                preferred_element_type=jnp.float32) * (1.0 / L)
    lo = lax.bitcast_convert_type(p[0].astype(jnp.bfloat16), jnp.uint16)
    hi = lax.bitcast_convert_type(p[1].astype(jnp.bfloat16), jnp.uint16)
    word = hi.astype(jnp.uint32) << 16 | lo.astype(jnp.uint32)
    q_ref[...] = lax.bitcast_convert_type(word, jnp.int32)


_proj = pl.pallas_call(
    _proj_body,
    grid=(VGRID,),
    in_specs=[
        pl.BlockSpec((OUT, HIDDEN), lambda i: (0, 0)),
        pl.BlockSpec((HIDDEN, VBLK), lambda i: (0, i)),
    ],
    out_specs=pl.BlockSpec((VBLK,), lambda i: (i,)),
    out_shape=jax.ShapeDtypeStruct((QPAD,), jnp.int32),
)


def _sc_body(textT_ref, q_ref, b_ref, out_ref, idx_v, buf, b_v, out_v,
             qs_v, sem0, sem1, sem2, sem3, sem4, sem5, sem6, sem7):
    c = lax.axis_index("c")
    s = lax.axis_index("s")
    wid = s * NC + c
    base = wid * SPW

    pltpu.sync_copy(q_ref.at[pl.ds(s * CHUNK, CHUNK)],
                    qs_v.at[pl.ds(s * CHUNK, CHUNK)])
    pltpu.sync_copy(textT_ref.at[:, pl.ds(base, SPW)], idx_v)
    pltpu.sync_copy(b_ref, b_v)
    plsc.subcore_barrier()

    sems = (sem0, sem1, sem2, sem3, sem4, sem5, sem6, sem7)
    NBUF = 8

    def fire(t, slot):
        pltpu.async_copy(qs_v.at[idx_v.at[t]], buf.at[slot], sems[slot])

    def drain(slot):
        pltpu.make_async_copy(qs_v.at[idx_v.at[0]], buf.at[slot],
                              sems[slot]).wait()

    for j in range(NBUF):
        fire(j, j)

    zero = jnp.zeros((LANES,), jnp.float32)

    def quad_body(p, accs):
        accs = list(accs)
        for j in range(NBUF):
            t = NBUF * p + j
            drain(j)
            new = []
            for g in range(SGRP):
                w32 = buf[j, pl.ds(g * LANES, LANES)]
                pair = plsc.bitcast(w32, jnp.bfloat16)
                a, b = plsc.unpack(pair, format=plsc.PackFormat.INTERLEAVED)
                new.append(accs[2 * g] + a)
                new.append(accs[2 * g + 1] + b)
            accs = new

            nxt = t + NBUF

            @pl.when(nxt < L)
            def _():
                fire(nxt, j)

        return tuple(accs)

    accs = lax.fori_loop(0, L // NBUF, quad_body, (zero,) * (2 * SGRP))

    lane = lax.iota(jnp.int32, LANES)
    b0 = b_v[pl.ds(0, LANES)]
    b1 = b_v[pl.ds(LANES, LANES)]
    for g in range(SGRP):
        pos = (lane + g * LANES) * OUT
        plsc.store_scatter(out_v, [pos], accs[2 * g] + b0)
        plsc.store_scatter(out_v, [pos + 1], accs[2 * g + 1] + b1)

    pltpu.sync_copy(out_v, out_ref.at[pl.ds(OUT * base, OUT * SPW)])


@functools.partial(
    pl.kernel,
    out_type=jax.ShapeDtypeStruct((B * OUT,), jnp.float32),
    mesh=plsc.VectorSubcoreMesh(core_axis_name="c", subcore_axis_name="s",
                                num_cores=NC, num_subcores=NS),
    scratch_types=[
        pltpu.VMEM((L, SPW), jnp.int32),
        pltpu.VMEM((8, SPW), jnp.int32),
        pltpu.VMEM((2 * LANES,), jnp.float32),
        pltpu.VMEM((OUT * SPW,), jnp.float32),
        pltpu.VMEM_SHARED((QPAD,), jnp.int32),
        pltpu.SemaphoreType.DMA,
        pltpu.SemaphoreType.DMA,
        pltpu.SemaphoreType.DMA,
        pltpu.SemaphoreType.DMA,
        pltpu.SemaphoreType.DMA,
        pltpu.SemaphoreType.DMA,
        pltpu.SemaphoreType.DMA,
        pltpu.SemaphoreType.DMA,
    ],
    compiler_params=pltpu.CompilerParams(use_tc_tiling_on_sc=False,
                                         needs_layout_passes=False),
)
def _sc_sums(textT_ref, q_ref, b_ref, out_ref, idx_v, buf, b_v, out_v,
             qs_v, sem0, sem1, sem2, sem3, sem4, sem5, sem6, sem7):
    _sc_body(textT_ref, q_ref, b_ref, out_ref, idx_v, buf, b_v, out_v,
             qs_v, sem0, sem1, sem2, sem3, sem4, sem5, sem6, sem7)


def kernel(text, emb_table, fc1_w, fc1_b):
    tabT = emb_table.T
    textT = text.astype(jnp.int32).T
    q = _proj(fc1_w, tabT)
    b32 = jnp.concatenate([jnp.full((LANES,), fc1_b[0], jnp.float32),
                           jnp.full((LANES,), fc1_b[1], jnp.float32)])
    out = _sc_sums(textT, q, b32)
    return out.reshape(B, OUT)

# --- scband reference (transcript-rebuilt; emitter-appended) ---
"""Pipeline reference for scband-model-17446157157061 (READ-ONLY COPY).

The authoritative reference and input builder live on the scoring server;
editing this copy changes nothing except your own understanding.
"""

import jax, jax.numpy as jnp
import numpy as np

VOCAB = 1000000
HIDDEN = 64
OUT = 2
B = 4096
L = 200

def setup_inputs(seed: int = 0) -> dict:
    key = jax.random.key(seed)
    k1, k2, k3, k4 = jax.random.split(key, 4)
    text = jax.random.randint(k1, (B, L), 0, VOCAB, dtype=jnp.int64 if jax.config.jax_enable_x64 else jnp.int32)
    emb_table = jax.random.normal(k2, (VOCAB, HIDDEN), dtype=jnp.float32) * 0.02
    fc1_w = jax.random.normal(k3, (OUT, HIDDEN), dtype=jnp.float32) * (1.0 / np.sqrt(HIDDEN))
    fc1_b = jax.random.normal(k4, (OUT,), dtype=jnp.float32) * 0.01
    return {"text": text, "emb_table": emb_table, "fc1_w": fc1_w, "fc1_b": fc1_b}

def reference(text, emb_table, fc1_w, fc1_b):
    # nn.Embedding lookup: gather rows of table
    embedding = jnp.take(emb_table, text, axis=0)  # [B, L, HIDDEN]
    # GlobalAveragePooling1D = torch.mean(embedding, dim=1)
    pooled = jnp.mean(embedding, axis=1)  # [B, HIDDEN]
    # nn.Linear: x @ W.T + b
    out = pooled @ fc1_w.T + fc1_b  # [B, OUT]
    return out

if __name__ == "__main__":
    import jax
    _d = setup_inputs()
    print(jax.jit(kernel)(*tuple(_d.values())))

</pallas_src>

<mosaic_0001>
#map = affine_map<(d0, d1) -> (0, 0)>
#map1 = affine_map<(d0, d1) -> (0)>
module attributes {stable_mosaic.version = 14 : i64} {
  func.func @_sc_sums(%arg0: i32, %arg1: i32, %arg2: memref<200x4096xi32, #tpu.memory_space<hbm>>, %arg3: memref<1015808xi32, #tpu.memory_space<hbm>>, %arg4: memref<32xf32, #tpu.memory_space<hbm>>, %arg5: memref<8192xf32, #tpu.memory_space<hbm>>, %arg6: memref<200x128xi32, #tpu.memory_space<vmem>>, %arg7: memref<8x128xi32, #tpu.memory_space<vmem>>, %arg8: memref<32xf32, #tpu.memory_space<vmem>>, %arg9: memref<256xf32, #tpu.memory_space<vmem>>, %arg10: memref<1015808xi32, #tpu.memory_space<vmem_shared>>, %arg11: memref<!tpu.dma_semaphore, #tpu.memory_space<semaphore_mem>>, %arg12: memref<!tpu.dma_semaphore, #tpu.memory_space<semaphore_mem>>, %arg13: memref<!tpu.dma_semaphore, #tpu.memory_space<semaphore_mem>>, %arg14: memref<!tpu.dma_semaphore, #tpu.memory_space<semaphore_mem>>, %arg15: memref<!tpu.dma_semaphore, #tpu.memory_space<semaphore_mem>>, %arg16: memref<!tpu.dma_semaphore, #tpu.memory_space<semaphore_mem>>, %arg17: memref<!tpu.dma_semaphore, #tpu.memory_space<semaphore_mem>>, %arg18: memref<!tpu.dma_semaphore, #tpu.memory_space<semaphore_mem>>) attributes {dimension_semantics = [#tpu.dimension_semantics<core_parallel>, #tpu.dimension_semantics<subcore_parallel>], iteration_bounds = array<i64: 2, 16>, scalar_prefetch = 0 : i64, scratch_operands = 13 : i64, tpu.core_type = #tpu.core_type<sc_vector_subcore>, window_params = [{transform_indices = #map}, {transform_indices = #map1}, {transform_indices = #map1}, {transform_indices = #map1}]} {
    %mul3A = arith.constant 2 : i32
    %mul3A_0 = arith.muli %arg1, %mul3A : i32
    %add3A = arith.addi %mul3A_0, %arg0 : i32
    %mul3A_1 = arith.constant 128 : i32
    %mul3A_2 = arith.muli %add3A, %mul3A_1 : i32
    %mul3A_3 = arith.constant 63488 : i32
    %mul3A_4 = arith.muli %arg1, %mul3A_3 : i32
    %mul3A_5 = arith.constant 63488 : i32
    %mul3A_6 = arith.muli %arg1, %mul3A_5 : i32
    "tpu.region"() ({
      %run_scoped3A = tpu.sem_alloc : memref<!tpu.dma_semaphore, #tpu.memory_space<semaphore_mem>>
      %dma_start3A_185 = tpu.memref_slice %arg10[%mul3A_6] : memref<1015808xi32, #tpu.memory_space<vmem_shared>> -> memref<63488xi32, #tpu.memory_space<vmem_shared>>
      %dma_start3A_186 = tpu.memref_slice %arg3[%mul3A_4] : memref<1015808xi32, #tpu.memory_space<hbm>> -> memref<63488xi32, #tpu.memory_space<hbm>>
      tpu.enqueue_dma source(%dma_start3A_186 : memref<63488xi32, #tpu.memory_space<hbm>>) target(%dma_start3A_185 : memref<63488xi32, #tpu.memory_space<vmem_shared>>) target_semaphore(%run_scoped3A : memref<!tpu.dma_semaphore, #tpu.memory_space<semaphore_mem>>)
      %dma_wait3A = tpu.memref_slice %arg10[%mul3A_6] : memref<1015808xi32, #tpu.memory_space<vmem_shared>> -> memref<63488xi32, #tpu.memory_space<vmem_shared>>
      %dma_wait3A_187 = tpu.memref_slice %arg3[%mul3A_4] : memref<1015808xi32, #tpu.memory_space<hbm>> -> memref<63488xi32, #tpu.memory_space<hbm>>
      tpu.wait_dma2 semaphore(%run_scoped3A : memref<!tpu.dma_semaphore, #tpu.memory_space<semaphore_mem>>) src(%dma_wait3A_187 : memref<63488xi32, #tpu.memory_space<hbm>>) dst(%dma_wait3A : memref<63488xi32, #tpu.memory_space<vmem_shared>>)
      tpu.yield
    }) : () -> ()
    "tpu.region"() ({
      %run_scoped3A = tpu.sem_alloc : memref<!tpu.dma_semaphore, #tpu.memory_space<semaphore_mem>>
      %dma_start3A_185 = arith.constant 0 : i32
      %dma_start3A_186 = tpu.memref_slice %arg2[%dma_start3A_185, %mul3A_2] : memref<200x4096xi32, #tpu.memory_space<hbm>> -> memref<200x128xi32, #tpu.memory_space<hbm>>
      %dma_start3A_187 = arith.constant 0 : i32
      %dma_start3A_188 = tpu.memref_slice %arg2[%dma_start3A_187, %mul3A_2] : memref<200x4096xi32, #tpu.memory_space<hbm>> -> memref<200x128xi32, #tpu.memory_space<hbm>>
      tpu.enqueue_dma source(%dma_start3A_188 : memref<200x128xi32, #tpu.memory_space<hbm>>) target(%arg6 : memref<200x128xi32, #tpu.memory_space<vmem>>) target_semaphore(%run_scoped3A : memref<!tpu.dma_semaphore, #tpu.memory_space<semaphore_mem>>)
      %dma_wait3A = arith.constant 0 : i32
      %dma_wait3A_189 = tpu.memref_slice %arg2[%dma_wait3A, %mul3A_2] : memref<200x4096xi32, #tpu.memory_space<hbm>> -> memref<200x128xi32, #tpu.memory_space<hbm>>
      %dma_wait3A_190 = arith.constant 0 : i32
      %dma_wait3A_191 = tpu.memref_slice %arg2[%dma_wait3A_190, %mul3A_2] : memref<200x4096xi32, #tpu.memory_space<hbm>> -> memref<200x128xi32, #tpu.memory_space<hbm>>
      tpu.wait_dma2 semaphore(%run_scoped3A : memref<!tpu.dma_semaphore, #tpu.memory_space<semaphore_mem>>) src(%dma_wait3A_191 : memref<200x128xi32, #tpu.memory_space<hbm>>) dst(%arg6 : memref<200x128xi32, #tpu.memory_space<vmem>>)
      tpu.yield
    }) : () -> ()
    "tpu.region"() ({
      %run_scoped3A = tpu.sem_alloc : memref<!tpu.dma_semaphore, #tpu.memory_space<semaphore_mem>>
      tpu.enqueue_dma source(%arg4 : memref<32xf32, #tpu.memory_space<hbm>>) target(%arg8 : memref<32xf32, #tpu.memory_space<vmem>>) target_semaphore(%run_scoped3A : memref<!tpu.dma_semaphore, #tpu.memory_space<semaphore_mem>>)
      tpu.wait_dma2 semaphore(%run_scoped3A : memref<!tpu.dma_semaphore, #tpu.memory_space<semaphore_mem>>) src(%arg4 : memref<32xf32, #tpu.memory_space<hbm>>) dst(%arg8 : memref<32xf32, #tpu.memory_space<vmem>>)
      tpu.yield
    }) : () -> ()
    %barrier3A = arith.constant 0 : index
    tpu.barrier barrier_id(%barrier3A)
    %dma_start3A = arith.constant 0 : i32
    %dma_start3A_7 = arith.constant 0 : i32
    %dma_start3A_8 = arith.constant 0 : i32
    %dma_start3A_9 = tpu.memref_slice %arg7[%dma_start3A_7, %dma_start3A_8] : memref<8x128xi32, #tpu.memory_space<vmem>> -> memref<1x128xi32, #tpu.memory_space<vmem>>
    %dma_start3A_10 = tpu.memref_squeeze %dma_start3A_9 : memref<1x128xi32, #tpu.memory_space<vmem>> -> memref<128xi32, #tpu.memory_space<vmem>>
    %dma_start3A_11 = arith.constant 0 : i32
    %dma_start3A_12 = tpu.memref_slice %arg6[%dma_start3A, %dma_start3A_11] : memref<200x128xi32, #tpu.memory_space<vmem>> -> memref<1x128xi32, #tpu.memory_space<vmem>>
    %dma_start3A_13 = tpu.memref_squeeze %dma_start3A_12 : memref<1x128xi32, #tpu.memory_space<vmem>> -> memref<128xi32, #tpu.memory_space<vmem>>
    %dma_start3A_14 = arith.constant 0 : i32
    %dma_start3A_15 = tpu.memref_slice %arg10[%dma_start3A_14] : memref<1015808xi32, #tpu.memory_space<vmem_shared>> -> memref<1015808xi32, #tpu.memory_space<vmem_shared>>
    tpu.enqueue_indirect_dma source(%dma_start3A_15 : memref<1015808xi32, #tpu.memory_space<vmem_shared>>) target(%dma_start3A_10 : memref<128xi32, #tpu.memory_space<vmem>>) offsets(%dma_start3A_13 : memref<128xi32, #tpu.memory_space<vmem>>) semaphore(%arg11 : memref<!tpu.dma_semaphore, #tpu.memory_space<semaphore_mem>>)
    %dma_start3A_16 = arith.constant 1 : i32
    %dma_start3A_17 = arith.constant 1 : i32
    %dma_start3A_18 = arith.constant 0 : i32
    %dma_start3A_19 = tpu.memref_slice %arg7[%dma_start3A_17, %dma_start3A_18] : memref<8x128xi32, #tpu.memory_space<vmem>> -> memref<1x128xi32, #tpu.memory_space<vmem>>
    %dma_start3A_20 = tpu.memref_squeeze %dma_start3A_19 : memref<1x128xi32, #tpu.memory_space<vmem>> -> memref<128xi32, #tpu.memory_space<vmem>>
    %dma_start3A_21 = arith.constant 0 : i32
    %dma_start3A_22 = tpu.memref_slice %arg6[%dma_start3A_16, %dma_start3A_21] : memref<200x128xi32, #tpu.memory_space<vmem>> -> memref<1x128xi32, #tpu.memory_space<vmem>>
    %dma_start3A_23 = tpu.memref_squeeze %dma_start3A_22 : memref<1x128xi32, #tpu.memory_space<vmem>> -> memref<128xi32, #tpu.memory_space<vmem>>
    %dma_start3A_24 = arith.constant 0 : i32
    %dma_start3A_25 = tpu.memref_slice %arg10[%dma_start3A_24] : memref<1015808xi32, #tpu.memory_space<vmem_shared>> -> memref<1015808xi32, #tpu.memory_space<vmem_shared>>
    tpu.enqueue_indirect_dma source(%dma_start3A_25 : memref<1015808xi32, #tpu.memory_space<vmem_shared>>) target(%dma_start3A_20 : memref<128xi32, #tpu.memory_space<vmem>>) offsets(%dma_start3A_23 : memref<128xi32, #tpu.memory_space<vmem>>) semaphore(%arg12 : memref<!tpu.dma_semaphore, #tpu.memory_space<semaphore_mem>>)
    %dma_start3A_26 = arith.constant 2 : i32
    %dma_start3A_27 = arith.constant 2 : i32
    %dma_start3A_28 = arith.constant 0 : i32
    %dma_start3A_29 = tpu.memref_slice %arg7[%dma_start3A_27, %dma_start3A_28] : memref<8x128xi32, #tpu.memory_space<vmem>> -> memref<1x128xi32, #tpu.memory_space<vmem>>
    %dma_start3A_30 = tpu.memref_squeeze %dma_start3A_29 : memref<1x128xi32, #tpu.memory_space<vmem>> -> memref<128xi32, #tpu.memory_space<vmem>>
    %dma_start3A_31 = arith.constant 0 : i32
    %dma_start3A_32 = tpu.memref_slice %arg6[%dma_start3A_26, %dma_start3A_31] : memref<200x128xi32, #tpu.memory_space<vmem>> -> memref<1x128xi32, #tpu.memory_space<vmem>>
    %dma_start3A_33 = tpu.memref_squeeze %dma_start3A_32 : memref<1x128xi32, #tpu.memory_space<vmem>> -> memref<128xi32, #tpu.memory_space<vmem>>
    %dma_start3A_34 = arith.constant 0 : i32
    %dma_start3A_35 = tpu.memref_slice %arg10[%dma_start3A_34] : memref<1015808xi32, #tpu.memory_space<vmem_shared>> -> memref<1015808xi32, #tpu.memory_space<vmem_shared>>
    tpu.enqueue_indirect_dma source(%dma_start3A_35 : memref<1015808xi32, #tpu.memory_space<vmem_shared>>) target(%dma_start3A_30 : memref<128xi32, #tpu.memory_space<vmem>>) offsets(%dma_start3A_33 : memref<128xi32, #tpu.memory_space<vmem>>) semaphore(%arg13 : memref<!tpu.dma_semaphore, #tpu.memory_space<semaphore_mem>>)
    %dma_start3A_36 = arith.constant 3 : i32
    %dma_start3A_37 = arith.constant 3 : i32
    %dma_start3A_38 = arith.constant 0 : i32
    %dma_start3A_39 = tpu.memref_slice %arg7[%dma_start3A_37, %dma_start3A_38] : memref<8x128xi32, #tpu.memory_space<vmem>> -> memref<1x128xi32, #tpu.memory_space<vmem>>
    %dma_start3A_40 = tpu.memref_squeeze %dma_start3A_39 : memref<1x128xi32, #tpu.memory_space<vmem>> -> memref<128xi32, #tpu.memory_space<vmem>>
    %dma_start3A_41 = arith.constant 0 : i32
    %dma_start3A_42 = tpu.memref_slice %arg6[%dma_start3A_36, %dma_start3A_41] : memref<200x128xi32, #tpu.memory_space<vmem>> -> memref<1x128xi32, #tpu.memory_space<vmem>>
    %dma_start3A_43 = tpu.memref_squeeze %dma_start3A_42 : memref<1x128xi32, #tpu.memory_space<vmem>> -> memref<128xi32, #tpu.memory_space<vmem>>
    %dma_start3A_44 = arith.constant 0 : i32
    %dma_start3A_45 = tpu.memref_slice %arg10[%dma_start3A_44] : memref<1015808xi32, #tpu.memory_space<vmem_shared>> -> memref<1015808xi32, #tpu.memory_space<vmem_shared>>
    tpu.enqueue_indirect_dma source(%dma_start3A_45 : memref<1015808xi32, #tpu.memory_space<vmem_shared>>) target(%dma_start3A_40 : memref<128xi32, #tpu.memory_space<vmem>>) offsets(%dma_start3A_43 : memref<128xi32, #tpu.memory_space<vmem>>) semaphore(%arg14 : memref<!tpu.dma_semaphore, #tpu.memory_space<semaphore_mem>>)
    %dma_start3A_46 = arith.constant 4 : i32
    %dma_start3A_47 = arith.constant 4 : i32
    %dma_start3A_48 = arith.constant 0 : i32
    %dma_start3A_49 = tpu.memref_slice %arg7[%dma_start3A_47, %dma_start3A_48] : memref<8x128xi32, #tpu.memory_space<vmem>> -> memref<1x128xi32, #tpu.memory_space<vmem>>
    %dma_start3A_50 = tpu.memref_squeeze %dma_start3A_49 : memref<1x128xi32, #tpu.memory_space<vmem>> -> memref<128xi32, #tpu.memory_space<vmem>>
    %dma_start3A_51 = arith.constant 0 : i32
    %dma_start3A_52 = tpu.memref_slice %arg6[%dma_start3A_46, %dma_start3A_51] : memref<200x128xi32, #tpu.memory_space<vmem>> -> memref<1x128xi32, #tpu.memory_space<vmem>>
    %dma_start3A_53 = tpu.memref_squeeze %dma_start3A_52 : memref<1x128xi32, #tpu.memory_space<vmem>> -> memref<128xi32, #tpu.memory_space<vmem>>
    %dma_start3A_54 = arith.constant 0 : i32
    %dma_start3A_55 = tpu.memref_slice %arg10[%dma_start3A_54] : memref<1015808xi32, #tpu.memory_space<vmem_shared>> -> memref<1015808xi32, #tpu.memory_space<vmem_shared>>
    tpu.enqueue_indirect_dma source(%dma_start3A_55 : memref<1015808xi32, #tpu.memory_space<vmem_shared>>) target(%dma_start3A_50 : memref<128xi32, #tpu.memory_space<vmem>>) offsets(%dma_start3A_53 : memref<128xi32, #tpu.memory_space<vmem>>) semaphore(%arg15 : memref<!tpu.dma_semaphore, #tpu.memory_space<semaphore_mem>>)
    %dma_start3A_56 = arith.constant 5 : i32
    %dma_start3A_57 = arith.constant 5 : i32
    %dma_start3A_58 = arith.constant 0 : i32
    %dma_start3A_59 = tpu.memref_slice %arg7[%dma_start3A_57, %dma_start3A_58] : memref<8x128xi32, #tpu.memory_space<vmem>> -> memref<1x128xi32, #tpu.memory_space<vmem>>
    %dma_start3A_60 = tpu.memref_squeeze %dma_start3A_59 : memref<1x128xi32, #tpu.memory_space<vmem>> -> memref<128xi32, #tpu.memory_space<vmem>>
    %dma_start3A_61 = arith.constant 0 : i32
    %dma_start3A_62 = tpu.memref_slice %arg6[%dma_start3A_56, %dma_start3A_61] : memref<200x128xi32, #tpu.memory_space<vmem>> -> memref<1x128xi32, #tpu.memory_space<vmem>>
    %dma_start3A_63 = tpu.memref_squeeze %dma_start3A_62 : memref<1x128xi32, #tpu.memory_space<vmem>> -> memref<128xi32, #tpu.memory_space<vmem>>
    %dma_start3A_64 = arith.constant 0 : i32
    %dma_start3A_65 = tpu.memref_slice %arg10[%dma_start3A_64] : memref<1015808xi32, #tpu.memory_space<vmem_shared>> -> memref<1015808xi32, #tpu.memory_space<vmem_shared>>
    tpu.enqueue_indirect_dma source(%dma_start3A_65 : memref<1015808xi32, #tpu.memory_space<vmem_shared>>) target(%dma_start3A_60 : memref<128xi32, #tpu.memory_space<vmem>>) offsets(%dma_start3A_63 : memref<128xi32, #tpu.memory_space<vmem>>) semaphore(%arg16 : memref<!tpu.dma_semaphore, #tpu.memory_space<semaphore_mem>>)
    %dma_start3A_66 = arith.constant 6 : i32
    %dma_start3A_67 = arith.constant 6 : i32
    %dma_start3A_68 = arith.constant 0 : i32
    %dma_start3A_69 = tpu.memref_slice %arg7[%dma_start3A_67, %dma_start3A_68] : memref<8x128xi32, #tpu.memory_space<vmem>> -> memref<1x128xi32, #tpu.memory_space<vmem>>
    %dma_start3A_70 = tpu.memref_squeeze %dma_start3A_69 : memref<1x128xi32, #tpu.memory_space<vmem>> -> memref<128xi32, #tpu.memory_space<vmem>>
    %dma_start3A_71 = arith.constant 0 : i32
    %dma_start3A_72 = tpu.memref_slice %arg6[%dma_start3A_66, %dma_start3A_71] : memref<200x128xi32, #tpu.memory_space<vmem>> -> memref<1x128xi32, #tpu.memory_space<vmem>>
    %dma_start3A_73 = tpu.memref_squeeze %dma_start3A_72 : memref<1x128xi32, #tpu.memory_space<vmem>> -> memref<128xi32, #tpu.memory_space<vmem>>
    %dma_start3A_74 = arith.constant 0 : i32
    %dma_start3A_75 = tpu.memref_slice %arg10[%dma_start3A_74] : memref<1015808xi32, #tpu.memory_space<vmem_shared>> -> memref<1015808xi32, #tpu.memory_space<vmem_shared>>
    tpu.enqueue_indirect_dma source(%dma_start3A_75 : memref<1015808xi32, #tpu.memory_space<vmem_shared>>) target(%dma_start3A_70 : memref<128xi32, #tpu.memory_space<vmem>>) offsets(%dma_start3A_73 : memref<128xi32, #tpu.memory_space<vmem>>) semaphore(%arg17 : memref<!tpu.dma_semaphore, #tpu.memory_space<semaphore_mem>>)
    %dma_start3A_76 = arith.constant 7 : i32
    %dma_start3A_77 = arith.constant 7 : i32
    %dma_start3A_78 = arith.constant 0 : i32
    %dma_start3A_79 = tpu.memref_slice %arg7[%dma_start3A_77, %dma_start3A_78] : memref<8x128xi32, #tpu.memory_space<vmem>> -> memref<1x128xi32, #tpu.memory_space<vmem>>
    %dma_start3A_80 = tpu.memref_squeeze %dma_start3A_79 : memref<1x128xi32, #tpu.memory_space<vmem>> -> memref<128xi32, #tpu.memory_space<vmem>>
    %dma_start3A_81 = arith.constant 0 : i32
    %dma_start3A_82 = tpu.memref_slice %arg6[%dma_start3A_76, %dma_start3A_81] : memref<200x128xi32, #tpu.memory_space<vmem>> -> memref<1x128xi32, #tpu.memory_space<vmem>>
    %dma_start3A_83 = tpu.memref_squeeze %dma_start3A_82 : memref<1x128xi32, #tpu.memory_space<vmem>> -> memref<128xi32, #tpu.memory_space<vmem>>
    %dma_start3A_84 = arith.constant 0 : i32
    %dma_start3A_85 = tpu.memref_slice %arg10[%dma_start3A_84] : memref<1015808xi32, #tpu.memory_space<vmem_shared>> -> memref<1015808xi32, #tpu.memory_space<vmem_shared>>
    tpu.enqueue_indirect_dma source(%dma_start3A_85 : memref<1015808xi32, #tpu.memory_space<vmem_shared>>) target(%dma_start3A_80 : memref<128xi32, #tpu.memory_space<vmem>>) offsets(%dma_start3A_83 : memref<128xi32, #tpu.memory_space<vmem>>) semaphore(%arg18 : memref<!tpu.dma_semaphore, #tpu.memory_space<semaphore_mem>>)
    %broadcast_in_dim3A = arith.constant 0.000000e+00 : f32
    %broadcast_in_dim3A_86 = vector.broadcast %broadcast_in_dim3A : f32 to vector<16xf32>
    %scan3A = arith.constant 0 : i32
    %scan3A_87 = arith.constant 25 : i32
    %scan3A_88 = arith.addi %scan3A, %scan3A_87 : i32
    %scan3A_89 = arith.constant 1 : i32
    %scan3A_90:16 = scf.for %scan3A_185 = %scan3A to %scan3A_88 step %scan3A_89 iter_args(%scan3A_186 = %broadcast_in_dim3A_86, %scan3A_187 = %broadcast_in_dim3A_86, %scan3A_188 = %broadcast_in_dim3A_86, %scan3A_189 = %broadcast_in_dim3A_86, %scan3A_190 = %broadcast_in_dim3A_86, %scan3A_191 = %broadcast_in_dim3A_86, %scan3A_192 = %broadcast_in_dim3A_86, %scan3A_193 = %broadcast_in_dim3A_86, %scan3A_194 = %broadcast_in_dim3A_86, %scan3A_195 = %broadcast_in_dim3A_86, %scan3A_196 = %broadcast_in_dim3A_86, %scan3A_197 = %broadcast_in_dim3A_86, %scan3A_198 = %broadcast_in_dim3A_86, %scan3A_199 = %broadcast_in_dim3A_86, %scan3A_200 = %broadcast_in_dim3A_86, %scan3A_201 = %broadcast_in_dim3A_86) -> (vector<16xf32>, vector<16xf32>, vector<16xf32>, vector<16xf32>, vector<16xf32>, vector<16xf32>, vector<16xf32>, vector<16xf32>, vector<16xf32>, vector<16xf32>, vector<16xf32>, vector<16xf32>, vector<16xf32>, vector<16xf32>, vector<16xf32>, vector<16xf32>)  : i32 {
      %mul3A_202 = arith.constant 8 : i32
      %mul3A_203 = arith.muli %mul3A_202, %scan3A_185 : i32
      %add3A_204 = arith.constant 0 : i32
      %add3A_205 = arith.addi %mul3A_203, %add3A_204 : i32
      %dma_wait3A = arith.constant 0 : i32
      %dma_wait3A_206 = arith.constant 0 : i32
      %dma_wait3A_207 = arith.constant 0 : i32
      %dma_wait3A_208 = tpu.memref_slice %arg7[%dma_wait3A_206, %dma_wait3A_207] : memref<8x128xi32, #tpu.memory_space<vmem>> -> memref<1x128xi32, #tpu.memory_space<vmem>>
      %dma_wait3A_209 = tpu.memref_squeeze %dma_wait3A_208 : memref<1x128xi32, #tpu.memory_space<vmem>> -> memref<128xi32, #tpu.memory_space<vmem>>
      %dma_wait3A_210 = arith.constant 0 : i32
      %dma_wait3A_211 = tpu.memref_slice %arg6[%dma_wait3A, %dma_wait3A_210] : memref<200x128xi32, #tpu.memory_space<vmem>> -> memref<1x128xi32, #tpu.memory_space<vmem>>
      %dma_wait3A_212 = tpu.memref_squeeze %dma_wait3A_211 : memref<1x128xi32, #tpu.memory_space<vmem>> -> memref<128xi32, #tpu.memory_space<vmem>>
      %dma_wait3A_213 = arith.constant 0 : i32
      %dma_wait3A_214 = tpu.memref_slice %arg10[%dma_wait3A_213] : memref<1015808xi32, #tpu.memory_space<vmem_shared>> -> memref<1015808xi32, #tpu.memory_space<vmem_shared>>
      tpu.wait_indirect_dma semaphore(%arg11 : memref<!tpu.dma_semaphore, #tpu.memory_space<semaphore_mem>>) src(%dma_wait3A_214 : memref<1015808xi32, #tpu.memory_space<vmem_shared>>) dst(%dma_wait3A_209 : memref<128xi32, #tpu.memory_space<vmem>>)
      %get3A_215 = arith.constant 0 : i32
      %get3A_216 = arith.index_cast %get3A_215 : i32 to index
      %get3A_217 = arith.constant 0 : index
      %get3A_218 = tpu.vector_load %arg7[%get3A_216, %get3A_217] {strides = array<i32>} : memref<8x128xi32, #tpu.memory_space<vmem>>, vector<16xi32>,
      %bitcast3A = vector.bitcast %get3A_218 : vector<16xi32> to vector<32xbf16>
      %unpack3A = tpu.unpack_subelements %bitcast3A, 0 {pack_format = #tpu.pack_format<interleaved>} : vector<32xbf16> -> vector<16xf32>
      %unpack3A_219 = tpu.unpack_subelements %bitcast3A, 1 {pack_format = #tpu.pack_format<interleaved>} : vector<32xbf16> -> vector<16xf32>
      %add3A_220 = arith.addf %scan3A_186, %unpack3A : vector<16xf32>
      %add3A_221 = arith.addf %scan3A_187, %unpack3A_219 : vector<16xf32>
      %get3A_222 = arith.constant 0 : i32
      %get3A_223 = arith.index_cast %get3A_222 : i32 to index
      %get3A_224 = arith.constant 16 : index
      %get3A_225 = tpu.vector_load %arg7[%get3A_223, %get3A_224] {strides = array<i32>} : memref<8x128xi32, #tpu.memory_space<vmem>>, vector<16xi32>,
      %bitcast3A_226 = vector.bitcast %get3A_225 : vector<16xi32> to vector<32xbf16>
      %unpack3A_227 = tpu.unpack_subelements %bitcast3A_226, 0 {pack_format = #tpu.pack_format<interleaved>} : vector<32xbf16> -> vector<16xf32>
      %unpack3A_228 = tpu.unpack_subelements %bitcast3A_226, 1 {pack_format = #tpu.pack_format<interleaved>} : vector<32xbf16> -> vector<16xf32>
      %add3A_229 = arith.addf %scan3A_188, %unpack3A_227 : vector<16xf32>
      %add3A_230 = arith.addf %scan3A_189, %unpack3A_228 : vector<16xf32>
      %get3A_231 = arith.constant 0 : i32
      %get3A_232 = arith.index_cast %get3A_231 : i32 to index
      %get3A_233 = arith.constant 32 : index
      %get3A_234 = tpu.vector_load %arg7[%get3A_232, %get3A_233] {strides = array<i32>} : memref<8x128xi32, #tpu.memory_space<vmem>>, vector<16xi32>,
      %bitcast3A_235 = vector.bitcast %get3A_234 : vector<16xi32> to vector<32xbf16>
      %unpack3A_236 = tpu.unpack_subelements %bitcast3A_235, 0 {pack_format = #tpu.pack_format<interleaved>} : vector<32xbf16> -> vector<16xf32>
      %unpack3A_237 = tpu.unpack_subelements %bitcast3A_235, 1 {pack_format = #tpu.pack_format<interleaved>} : vector<32xbf16> -> vector<16xf32>
      %add3A_238 = arith.addf %scan3A_190, %unpack3A_236 : vector<16xf32>
      %add3A_239 = arith.addf %scan3A_191, %unpack3A_237 : vector<16xf32>
      %get3A_240 = arith.constant 0 : i32
      %get3A_241 = arith.index_cast %get3A_240 : i32 to index
      %get3A_242 = arith.constant 48 : index
      %get3A_243 = tpu.vector_load %arg7[%get3A_241, %get3A_242] {strides = array<i32>} : memref<8x128xi32, #tpu.memory_space<vmem>>, vector<16xi32>,
      %bitcast3A_244 = vector.bitcast %get3A_243 : vector<16xi32> to vector<32xbf16>
      %unpack3A_245 = tpu.unpack_subelements %bitcast3A_244, 0 {pack_format = #tpu.pack_format<interleaved>} : vector<32xbf16> -> vector<16xf32>
      %unpack3A_246 = tpu.unpack_subelements %bitcast3A_244, 1 {pack_format = #tpu.pack_format<interleaved>} : vector<32xbf16> -> vector<16xf32>
      %add3A_247 = arith.addf %scan3A_192, %unpack3A_245 : vector<16xf32>
      %add3A_248 = arith.addf %scan3A_193, %unpack3A_246 : vector<16xf32>
      %get3A_249 = arith.constant 0 : i32
      %get3A_250 = arith.index_cast %get3A_249 : i32 to index
      %get3A_251 = arith.constant 64 : index
      %get3A_252 = tpu.vector_load %arg7[%get3A_250, %get3A_251] {strides = array<i32>} : memref<8x128xi32, #tpu.memory_space<vmem>>, vector<16xi32>,
      %bitcast3A_253 = vector.bitcast %get3A_252 : vector<16xi32> to vector<32xbf16>
      %unpack3A_254 = tpu.unpack_subelements %bitcast3A_253, 0 {pack_format = #tpu.pack_format<interleaved>} : vector<32xbf16> -> vector<16xf32>
      %unpack3A_255 = tpu.unpack_subelements %bitcast3A_253, 1 {pack_format = #tpu.pack_format<interleaved>} : vector<32xbf16> -> vector<16xf32>
      %add3A_256 = arith.addf %scan3A_194, %unpack3A_254 : vector<16xf32>
      %add3A_257 = arith.addf %scan3A_195, %unpack3A_255 : vector<16xf32>
      %get3A_258 = arith.constant 0 : i32
      %get3A_259 = arith.index_cast %get3A_258 : i32 to index
      %get3A_260 = arith.constant 80 : index
      %get3A_261 = tpu.vector_load %arg7[%get3A_259, %get3A_260] {strides = array<i32>} : memref<8x128xi32, #tpu.memory_space<vmem>>, vector<16xi32>,
      %bitcast3A_262 = vector.bitcast %get3A_261 : vector<16xi32> to vector<32xbf16>
      %unpack3A_263 = tpu.unpack_subelements %bitcast3A_262, 0 {pack_format = #tpu.pack_format<interleaved>} : vector<32xbf16> -> vector<16xf32>
      %unpack3A_264 = tpu.unpack_subelements %bitcast3A_262, 1 {pack_format = #tpu.pack_format<interleaved>} : vector<32xbf16> -> vector<16xf32>
      %add3A_265 = arith.addf %scan3A_196, %unpack3A_263 : vector<16xf32>
      %add3A_266 = arith.addf %scan3A_197, %unpack3A_264 : vector<16xf32>
      %get3A_267 = arith.constant 0 : i32
      %get3A_268 = arith.index_cast %get3A_267 : i32 to index
      %get3A_269 = arith.constant 96 : index
      %get3A_270 = tpu.vector_load %arg7[%get3A_268, %get3A_269] {strides = array<i32>} : memref<8x128xi32, #tpu.memory_space<vmem>>, vector<16xi32>,
      %bitcast3A_271 = vector.bitcast %get3A_270 : vector<16xi32> to vector<32xbf16>
      %unpack3A_272 = tpu.unpack_subelements %bitcast3A_271, 0 {pack_format = #tpu.pack_format<interleaved>} : vector<32xbf16> -> vector<16xf32>
      %unpack3A_273 = tpu.unpack_subelements %bitcast3A_271, 1 {pack_format = #tpu.pack_format<interleaved>} : vector<32xbf16> -> vector<16xf32>
      %add3A_274 = arith.addf %scan3A_198, %unpack3A_272 : vector<16xf32>
      %add3A_275 = arith.addf %scan3A_199, %unpack3A_273 : vector<16xf32>
      %get3A_276 = arith.constant 0 : i32
      %get3A_277 = arith.index_cast %get3A_276 : i32 to index
      %get3A_278 = arith.constant 112 : index
      %get3A_279 = tpu.vector_load %arg7[%get3A_277, %get3A_278] {strides = array<i32>} : memref<8x128xi32, #tpu.memory_space<vmem>>, vector<16xi32>,
      %bitcast3A_280 = vector.bitcast %get3A_279 : vector<16xi32> to vector<32xbf16>
      %unpack3A_281 = tpu.unpack_subelements %bitcast3A_280, 0 {pack_format = #tpu.pack_format<interleaved>} : vector<32xbf16> -> vector<16xf32>
      %unpack3A_282 = tpu.unpack_subelements %bitcast3A_280, 1 {pack_format = #tpu.pack_format<interleaved>} : vector<32xbf16> -> vector<16xf32>
      %add3A_283 = arith.addf %scan3A_200, %unpack3A_281 : vector<16xf32>
      %add3A_284 = arith.addf %scan3A_201, %unpack3A_282 : vector<16xf32>
      %add3A_285 = arith.constant 8 : i32
      %add3A_286 = arith.addi %add3A_205, %add3A_285 : i32
      %lt3A = arith.constant 200 : i32
      %lt3A_287 = arith.cmpi slt, %add3A_286, %lt3A : i32
      %convert_element_type3A = arith.extui %lt3A_287 : i1 to i32
      %cond3A = arith.constant 0 : i32
      %cond3A_288 = arith.cmpi ne, %convert_element_type3A, %cond3A : i32
      scf.if %cond3A_288 {
        %dma_start3A_940 = arith.constant 0 : i32
        %dma_start3A_941 = arith.constant 0 : i32
        %dma_start3A_942 = tpu.memref_slice %arg7[%dma_start3A_940, %dma_start3A_941] : memref<8x128xi32, #tpu.memory_space<vmem>> -> memref<1x128xi32, #tpu.memory_space<vmem>>
        %dma_start3A_943 = tpu.memref_squeeze %dma_start3A_942 : memref<1x128xi32, #tpu.memory_space<vmem>> -> memref<128xi32, #tpu.memory_space<vmem>>
        %dma_start3A_944 = arith.constant 0 : i32
        %dma_start3A_945 = tpu.memref_slice %arg6[%add3A_286, %dma_start3A_944] : memref<200x128xi32, #tpu.memory_space<vmem>> -> memref<1x128xi32, #tpu.memory_space<vmem>>
        %dma_start3A_946 = tpu.memref_squeeze %dma_start3A_945 : memref<1x128xi32, #tpu.memory_space<vmem>> -> memref<128xi32, #tpu.memory_space<vmem>>
        %dma_start3A_947 = arith.constant 0 : i32
        %dma_start3A_948 = tpu.memref_slice %arg10[%dma_start3A_947] : memref<1015808xi32, #tpu.memory_space<vmem_shared>> -> memref<1015808xi32, #tpu.memory_space<vmem_shared>>
        tpu.enqueue_indirect_dma source(%dma_start3A_948 : memref<1015808xi32, #tpu.memory_space<vmem_shared>>) target(%dma_start3A_943 : memref<128xi32, #tpu.memory_space<vmem>>) offsets(%dma_start3A_946 : memref<128xi32, #tpu.memory_space<vmem>>) semaphore(%arg11 : memref<!tpu.dma_semaphore, #tpu.memory_space<semaphore_mem>>)
      } else {
      }
      %mul3A_289 = arith.constant 8 : i32
      %mul3A_290 = arith.muli %mul3A_289, %scan3A_185 : i32
      %add3A_291 = arith.constant 1 : i32
      %add3A_292 = arith.addi %mul3A_290, %add3A_291 : i32
      %dma_wait3A_293 = arith.constant 0 : i32
      %dma_wait3A_294 = arith.constant 1 : i32
      %dma_wait3A_295 = arith.constant 0 : i32
      %dma_wait3A_296 = tpu.memref_slice %arg7[%dma_wait3A_294, %dma_wait3A_295] : memref<8x128xi32, #tpu.memory_space<vmem>> -> memref<1x128xi32, #tpu.memory_space<vmem>>
      %dma_wait3A_297 = tpu.memref_squeeze %dma_wait3A_296 : memref<1x128xi32, #tpu.memory_space<vmem>> -> memref<128xi32, #tpu.memory_space<vmem>>
      %dma_wait3A_298 = arith.constant 0 : i32
      %dma_wait3A_299 = tpu.memref_slice %arg6[%dma_wait3A_293, %dma_wait3A_298] : memref<200x128xi32, #tpu.memory_space<vmem>> -> memref<1x128xi32, #tpu.memory_space<vmem>>
      %dma_wait3A_300 = tpu.memref_squeeze %dma_wait3A_299 : memref<1x128xi32, #tpu.memory_space<vmem>> -> memref<128xi32, #tpu.memory_space<vmem>>
      %dma_wait3A_301 = arith.constant 0 : i32
      %dma_wait3A_302 = tpu.memref_slice %arg10[%dma_wait3A_301] : memref<1015808xi32, #tpu.memory_space<vmem_shared>> -> memref<1015808xi32, #tpu.memory_space<vmem_shared>>
      tpu.wait_indirect_dma semaphore(%arg12 : memref<!tpu.dma_semaphore, #tpu.memory_space<semaphore_mem>>) src(%dma_wait3A_302 : memref<1015808xi32, #tpu.memory_space<vmem_shared>>) dst(%dma_wait3A_297 : memref<128xi32, #tpu.memory_space<vmem>>)
      %get3A_303 = arith.constant 1 : i32
      %get3A_304 = arith.index_cast %get3A_303 : i32 to index
      %get3A_305 = arith.constant 0 : index
      %get3A_306 = tpu.vector_load %arg7[%get3A_304, %get3A_305] {strides = array<i32>} : memref<8x128xi32, #tpu.memory_space<vmem>>, vector<16xi32>,
      %bitcast3A_307 = vector.bitcast %get3A_306 : vector<16xi32> to vector<32xbf16>
      %unpack3A_308 = tpu.unpack_subelements %bitcast3A_307, 0 {pack_format = #tpu.pack_format<interleaved>} : vector<32xbf16> -> vector<16xf32>
      %unpack3A_309 = tpu.unpack_subelements %bitcast3A_307, 1 {pack_format = #tpu.pack_format<interleaved>} : vector<32xbf16> -> vector<16xf32>
      %add3A_310 = arith.addf %add3A_220, %unpack3A_308 : vector<16xf32>
      %add3A_311 = arith.addf %add3A_221, %unpack3A_309 : vector<16xf32>
      %get3A_312 = arith.constant 1 : i32
      %get3A_313 = arith.index_cast %get3A_312 : i32 to index
      %get3A_314 = arith.constant 16 : index
      %get3A_315 = tpu.vector_load %arg7[%get3A_313, %get3A_314] {strides = array<i32>} : memref<8x128xi32, #tpu.memory_space<vmem>>, vector<16xi32>,
      %bitcast3A_316 = vector.bitcast %get3A_315 : vector<16xi32> to vector<32xbf16>
      %unpack3A_317 = tpu.unpack_subelements %bitcast3A_316, 0 {pack_format = #tpu.pack_format<interleaved>} : vector<32xbf16> -> vector<16xf32>
      %unpack3A_318 = tpu.unpack_subelements %bitcast3A_316, 1 {pack_format = #tpu.pack_format<interleaved>} : vector<32xbf16> -> vector<16xf32>
      %add3A_319 = arith.addf %add3A_229, %unpack3A_317 : vector<16xf32>
      %add3A_320 = arith.addf %add3A_230, %unpack3A_318 : vector<16xf32>
      %get3A_321 = arith.constant 1 : i32
      %get3A_322 = arith.index_cast %get3A_321 : i32 to index
      %get3A_323 = arith.constant 32 : index
      %get3A_324 = tpu.vector_load %arg7[%get3A_322, %get3A_323] {strides = array<i32>} : memref<8x128xi32, #tpu.memory_space<vmem>>, vector<16xi32>,
      %bitcast3A_325 = vector.bitcast %get3A_324 : vector<16xi32> to vector<32xbf16>
      %unpack3A_326 = tpu.unpack_subelements %bitcast3A_325, 0 {pack_format = #tpu.pack_format<interleaved>} : vector<32xbf16> -> vector<16xf32>
      %unpack3A_327 = tpu.unpack_subelements %bitcast3A_325, 1 {pack_format = #tpu.pack_format<interleaved>} : vector<32xbf16> -> vector<16xf32>
      %add3A_328 = arith.addf %add3A_238, %unpack3A_326 : vector<16xf32>
      %add3A_329 = arith.addf %add3A_239, %unpack3A_327 : vector<16xf32>
      %get3A_330 = arith.constant 1 : i32
      %get3A_331 = arith.index_cast %get3A_330 : i32 to index
      %get3A_332 = arith.constant 48 : index
      %get3A_333 = tpu.vector_load %arg7[%get3A_331, %get3A_332] {strides = array<i32>} : memref<8x128xi32, #tpu.memory_space<vmem>>, vector<16xi32>,
      %bitcast3A_334 = vector.bitcast %get3A_333 : vector<16xi32> to vector<32xbf16>
      %unpack3A_335 = tpu.unpack_subelements %bitcast3A_334, 0 {pack_format = #tpu.pack_format<interleaved>} : vector<32xbf16> -> vector<16xf32>
      %unpack3A_336 = tpu.unpack_subelements %bitcast3A_334, 1 {pack_format = #tpu.pack_format<interleaved>} : vector<32xbf16> -> vector<16xf32>
      %add3A_337 = arith.addf %add3A_247, %unpack3A_335 : vector<16xf32>
      %add3A_338 = arith.addf %add3A_248, %unpack3A_336 : vector<16xf32>
      %get3A_339 = arith.constant 1 : i32
      %get3A_340 = arith.index_cast %get3A_339 : i32 to index
      %get3A_341 = arith.constant 64 : index
      %get3A_342 = tpu.vector_load %arg7[%get3A_340, %get3A_341] {strides = array<i32>} : memref<8x128xi32, #tpu.memory_space<vmem>>, vector<16xi32>,
      %bitcast3A_343 = vector.bitcast %get3A_342 : vector<16xi32> to vector<32xbf16>
      %unpack3A_344 = tpu.unpack_subelements %bitcast3A_343, 0 {pack_format = #tpu.pack_format<interleaved>} : vector<32xbf16> -> vector<16xf32>
      %unpack3A_345 = tpu.unpack_subelements %bitcast3A_343, 1 {pack_format = #tpu.pack_format<interleaved>} : vector<32xbf16> -> vector<16xf32>
      %add3A_346 = arith.addf %add3A_256, %unpack3A_344 : vector<16xf32>
      %add3A_347 = arith.addf %add3A_257, %unpack3A_345 : vector<16xf32>
      %get3A_348 = arith.constant 1 : i32
      %get3A_349 = arith.index_cast %get3A_348 : i32 to index
      %get3A_350 = arith.constant 80 : index
      %get3A_351 = tpu.vector_load %arg7[%get3A_349, %get3A_350] {strides = array<i32>} : memref<8x128xi32, #tpu.memory_space<vmem>>, vector<16xi32>,
      %bitcast3A_352 = vector.bitcast %get3A_351 : vector<16xi32> to vector<32xbf16>
      %unpack3A_353 = tpu.unpack_subelements %bitcast3A_352, 0 {pack_format = #tpu.pack_format<interleaved>} : vector<32xbf16> -> vector<16xf32>
      %unpack3A_354 = tpu.unpack_subelements %bitcast3A_352, 1 {pack_format = #tpu.pack_format<interleaved>} : vector<32xbf16> -> vector<16xf32>
      %add3A_355 = arith.addf %add3A_265, %unpack3A_353 : vector<16xf32>
      %add3A_356 = arith.addf %add3A_266, %unpack3A_354 : vector<16xf32>
      %get3A_357 = arith.constant 1 : i32
      %get3A_358 = arith.index_cast %get3A_357 : i32 to index
      %get3A_359 = arith.constant 96 : index
      %get3A_360 = tpu.vector_load %arg7[%get3A_358, %get3A_359] {strides = array<i32>} : memref<8x128xi32, #tpu.memory_space<vmem>>, vector<16xi32>,
      %bitcast3A_361 = vector.bitcast %get3A_360 : vector<16xi32> to vector<32xbf16>
      %unpack3A_362 = tpu.unpack_subelements %bitcast3A_361, 0 {pack_format = #tpu.pack_format<interleaved>} : vector<32xbf16> -> vector<16xf32>
      %unpack3A_363 = tpu.unpack_subelements %bitcast3A_361, 1 {pack_format = #tpu.pack_format<interleaved>} : vector<32xbf16> -> vector<16xf32>
      %add3A_364 = arith.addf %add3A_274, %unpack3A_362 : vector<16xf32>
      %add3A_365 = arith.addf %add3A_275, %unpack3A_363 : vector<16xf32>
      %get3A_366 = arith.constant 1 : i32
      %get3A_367 = arith.index_cast %get3A_366 : i32 to index
      %get3A_368 = arith.constant 112 : index
      %get3A_369 = tpu.vector_load %arg7[%get3A_367, %get3A_368] {strides = array<i32>} : memref<8x128xi32, #tpu.memory_space<vmem>>, vector<16xi32>,
      %bitcast3A_370 = vector.bitcast %get3A_369 : vector<16xi32> to vector<32xbf16>
      %unpack3A_371 = tpu.unpack_subelements %bitcast3A_370, 0 {pack_format = #tpu.pack_format<interleaved>} : vector<32xbf16> -> vector<16xf32>
      %unpack3A_372 = tpu.unpack_subelements %bitcast3A_370, 1 {pack_format = #tpu.pack_format<interleaved>} : vector<32xbf16> -> vector<16xf32>
      %add3A_373 = arith.addf %add3A_283, %unpack3A_371 : vector<16xf32>
      %add3A_374 = arith.addf %add3A_284, %unpack3A_372 : vector<16xf32>
      %add3A_375 = arith.constant 8 : i32
      %add3A_376 = arith.addi %add3A_292, %add3A_375 : i32
      %lt3A_377 = arith.constant 200 : i32
      %lt3A_378 = arith.cmpi slt, %add3A_376, %lt3A_377 : i32
      %convert_element_type3A_379 = arith.extui %lt3A_378 : i1 to i32
      %cond3A_380 = arith.constant 0 : i32
      %cond3A_381 = arith.cmpi ne, %convert_element_type3A_379, %cond3A_380 : i32
      scf.if %cond3A_381 {
        %dma_start3A_940 = arith.constant 1 : i32
        %dma_start3A_941 = arith.constant 0 : i32
        %dma_start3A_942 = tpu.memref_slice %arg7[%dma_start3A_940, %dma_start3A_941] : memref<8x128xi32, #tpu.memory_space<vmem>> -> memref<1x128xi32, #tpu.memory_space<vmem>>
        %dma_start3A_943 = tpu.memref_squeeze %dma_start3A_942 : memref<1x128xi32, #tpu.memory_space<vmem>> -> memref<128xi32, #tpu.memory_space<vmem>>
        %dma_start3A_944 = arith.constant 0 : i32
        %dma_start3A_945 = tpu.memref_slice %arg6[%add3A_376, %dma_start3A_944] : memref<200x128xi32, #tpu.memory_space<vmem>> -> memref<1x128xi32, #tpu.memory_space<vmem>>
        %dma_start3A_946 = tpu.memref_squeeze %dma_start3A_945 : memref<1x128xi32, #tpu.memory_space<vmem>> -> memref<128xi32, #tpu.memory_space<vmem>>
        %dma_start3A_947 = arith.constant 0 : i32
        %dma_start3A_948 = tpu.memref_slice %arg10[%dma_start3A_947] : memref<1015808xi32, #tpu.memory_space<vmem_shared>> -> memref<1015808xi32, #tpu.memory_space<vmem_shared>>
        tpu.enqueue_indirect_dma source(%dma_start3A_948 : memref<1015808xi32, #tpu.memory_space<vmem_shared>>) target(%dma_start3A_943 : memref<128xi32, #tpu.memory_space<vmem>>) offsets(%dma_start3A_946 : memref<128xi32, #tpu.memory_space<vmem>>) semaphore(%arg12 : memref<!tpu.dma_semaphore, #tpu.memory_space<semaphore_mem>>)
      } else {
      }
      %mul3A_382 = arith.constant 8 : i32
      %mul3A_383 = arith.muli %mul3A_382, %scan3A_185 : i32
      %add3A_384 = arith.constant 2 : i32
      %add3A_385 = arith.addi %mul3A_383, %add3A_384 : i32
      %dma_wait3A_386 = arith.constant 0 : i32
      %dma_wait3A_387 = arith.constant 2 : i32
      %dma_wait3A_388 = arith.constant 0 : i32
      %dma_wait3A_389 = tpu.memref_slice %arg7[%dma_wait3A_387, %dma_wait3A_388] : memref<8x128xi32, #tpu.memory_space<vmem>> -> memref<1x128xi32, #tpu.memory_space<vmem>>
      %dma_wait3A_390 = tpu.memref_squeeze %dma_wait3A_389 : memref<1x128xi32, #tpu.memory_space<vmem>> -> memref<128xi32, #tpu.memory_space<vmem>>
      %dma_wait3A_391 = arith.constant 0 : i32
      %dma_wait3A_392 = tpu.memref_slice %arg6[%dma_wait3A_386, %dma_wait3A_391] : memref<200x128xi32, #tpu.memory_space<vmem>> -> memref<1x128xi32, #tpu.memory_space<vmem>>
      %dma_wait3A_393 = tpu.memref_squeeze %dma_wait3A_392 : memref<1x128xi32, #tpu.memory_space<vmem>> -> memref<128xi32, #tpu.memory_space<vmem>>
      %dma_wait3A_394 = arith.constant 0 : i32
      %dma_wait3A_395 = tpu.memref_slice %arg10[%dma_wait3A_394] : memref<1015808xi32, #tpu.memory_space<vmem_shared>> -> memref<1015808xi32, #tpu.memory_space<vmem_shared>>
      tpu.wait_indirect_dma semaphore(%arg13 : memref<!tpu.dma_semaphore, #tpu.memory_space<semaphore_mem>>) src(%dma_wait3A_395 : memref<1015808xi32, #tpu.memory_space<vmem_shared>>) dst(%dma_wait3A_390 : memref<128xi32, #tpu.memory_space<vmem>>)
      %get3A_396 = arith.constant 2 : i32
      %get3A_397 = arith.index_cast %get3A_396 : i32 to index
      %get3A_398 = arith.constant 0 : index
      %get3A_399 = tpu.vector_load %arg7[%get3A_397, %get3A_398] {strides = array<i32>} : memref<8x128xi32, #tpu.memory_space<vmem>>, vector<16xi32>,
      %bitcast3A_400 = vector.bitcast %get3A_399 : vector<16xi32> to vector<32xbf16>
      %unpack3A_401 = tpu.unpack_subelements %bitcast3A_400, 0 {pack_format = #tpu.pack_format<interleaved>} : vector<32xbf16> -> vector<16xf32>
      %unpack3A_402 = tpu.unpack_subelements %bitcast3A_400, 1 {pack_format = #tpu.pack_format<interleaved>} : vector<32xbf16> -> vector<16xf32>
      %add3A_403 = arith.addf %add3A_310, %unpack3A_401 : vector<16xf32>
      %add3A_404 = arith.addf %add3A_311, %unpack3A_402 : vector<16xf32>
      %get3A_405 = arith.constant 2 : i32
      %get3A_406 = arith.index_cast %get3A_405 : i32 to index
      %get3A_407 = arith.constant 16 : index
      %get3A_408 = tpu.vector_load %arg7[%get3A_406, %get3A_407] {strides = array<i32>} : memref<8x128xi32, #tpu.memory_space<vmem>>, vector<16xi32>,
      %bitcast3A_409 = vector.bitcast %get3A_408 : vector<16xi32> to vector<32xbf16>
      %unpack3A_410 = tpu.unpack_subelements %bitcast3A_409, 0 {pack_format = #tpu.pack_format<interleaved>} : vector<32xbf16> -> vector<16xf32>
      %unpack3A_411 = tpu.unpack_subelements %bitcast3A_409, 1 {pack_format = #tpu.pack_format<interleaved>} : vector<32xbf16> -> vector<16xf32>
      %add3A_412 = arith.addf %add3A_319, %unpack3A_410 : vector<16xf32>
      %add3A_413 = arith.addf %add3A_320, %unpack3A_411 : vector<16xf32>
      %get3A_414 = arith.constant 2 : i32
      %get3A_415 = arith.index_cast %get3A_414 : i32 to index
      %get3A_416 = arith.constant 32 : index
      %get3A_417 = tpu.vector_load %arg7[%get3A_415, %get3A_416] {strides = array<i32>} : memref<8x128xi32, #tpu.memory_space<vmem>>, vector<16xi32>,
      %bitcast3A_418 = vector.bitcast %get3A_417 : vector<16xi32> to vector<32xbf16>
      %unpack3A_419 = tpu.unpack_subelements %bitcast3A_418, 0 {pack_format = #tpu.pack_format<interleaved>} : vector<32xbf16> -> vector<16xf32>
      %unpack3A_420 = tpu.unpack_subelements %bitcast3A_418, 1 {pack_format = #tpu.pack_format<interleaved>} : vector<32xbf16> -> vector<16xf32>
      %add3A_421 = arith.addf %add3A_328, %unpack3A_419 : vector<16xf32>
      %add3A_422 = arith.addf %add3A_329, %unpack3A_420 : vector<16xf32>
      %get3A_423 = arith.constant 2 : i32
      %get3A_424 = arith.index_cast %get3A_423 : i32 to index
      %get3A_425 = arith.constant 48 : index
      %get3A_426 = tpu.vector_load %arg7[%get3A_424, %get3A_425] {strides = array<i32>} : memref<8x128xi32, #tpu.memory_space<vmem>>, vector<16xi32>,
      %bitcast3A_427 = vector.bitcast %get3A_426 : vector<16xi32> to vector<32xbf16>
      %unpack3A_428 = tpu.unpack_subelements %bitcast3A_427, 0 {pack_format = #tpu.pack_format<interleaved>} : vector<32xbf16> -> vector<16xf32>
      %unpack3A_429 = tpu.unpack_subelements %bitcast3A_427, 1 {pack_format = #tpu.pack_format<interleaved>} : vector<32xbf16> -> vector<16xf32>
      %add3A_430 = arith.addf %add3A_337, %unpack3A_428 : vector<16xf32>
      %add3A_431 = arith.addf %add3A_338, %unpack3A_429 : vector<16xf32>
      %get3A_432 = arith.constant 2 : i32
      %get3A_433 = arith.index_cast %get3A_432 : i32 to index
      %get3A_434 = arith.constant 64 : index
      %get3A_435 = tpu.vector_load %arg7[%get3A_433, %get3A_434] {strides = array<i32>} : memref<8x128xi32, #tpu.memory_space<vmem>>, vector<16xi32>,
      %bitcast3A_436 = vector.bitcast %get3A_435 : vector<16xi32> to vector<32xbf16>
      %unpack3A_437 = tpu.unpack_subelements %bitcast3A_436, 0 {pack_format = #tpu.pack_format<interleaved>} : vector<32xbf16> -> vector<16xf32>
      %unpack3A_438 = tpu.unpack_subelements %bitcast3A_436, 1 {pack_format = #tpu.pack_format<interleaved>} : vector<32xbf16> -> vector<16xf32>
      %add3A_439 = arith.addf %add3A_346, %unpack3A_437 : vector<16xf32>
      %add3A_440 = arith.addf %add3A_347, %unpack3A_438 : vector<16xf32>
      %get3A_441 = arith.constant 2 : i32
      %get3A_442 = arith.index_cast %get3A_441 : i32 to index
      %get3A_443 = arith.constant 80 : index
      %get3A_444 = tpu.vector_load %arg7[%get3A_442, %get3A_443] {strides = array<i32>} : memref<8x128xi32, #tpu.memory_space<vmem>>, vector<16xi32>,
      %bitcast3A_445 = vector.bitcast %get3A_444 : vector<16xi32> to vector<32xbf16>
      %unpack3A_446 = tpu.unpack_subelements %bitcast3A_445, 0 {pack_format = #tpu.pack_format<interleaved>} : vector<32xbf16> -> vector<16xf32>
      %unpack3A_447 = tpu.unpack_subelements %bitcast3A_445, 1 {pack_format = #tpu.pack_format<interleaved>} : vector<32xbf16> -> vector<16xf32>
      %add3A_448 = arith.addf %add3A_355, %unpack3A_446 : vector<16xf32>
      %add3A_449 = arith.addf %add3A_356, %unpack3A_447 : vector<16xf32>
      %get3A_450 = arith.constant 2 : i32
      %get3A_451 = arith.index_cast %get3A_450 : i32 to index
      %get3A_452 = arith.constant 96 : index
      %get3A_453 = tpu.vector_load %arg7[%get3A_451, %get3A_452] {strides = array<i32>} : memref<8x128xi32, #tpu.memory_space<vmem>>, vector<16xi32>,
      %bitcast3A_454 = vector.bitcast %get3A_453 : vector<16xi32> to vector<32xbf16>
      %unpack3A_455 = tpu.unpack_subelements %bitcast3A_454, 0 {pack_format = #tpu.pack_format<interleaved>} : vector<32xbf16> -> vector<16xf32>
      %unpack3A_456 = tpu.unpack_subelements %bitcast3A_454, 1 {pack_format = #tpu.pack_format<interleaved>} : vector<32xbf16> -> vector<16xf32>
      %add3A_457 = arith.addf %add3A_364, %unpack3A_455 : vector<16xf32>
      %add3A_458 = arith.addf %add3A_365, %unpack3A_456 : vector<16xf32>
      %get3A_459 = arith.constant 2 : i32
      %get3A_460 = arith.index_cast %get3A_459 : i32 to index
      %get3A_461 = arith.constant 112 : index
      %get3A_462 = tpu.vector_load %arg7[%get3A_460, %get3A_461] {strides = array<i32>} : memref<8x128xi32, #tpu.memory_space<vmem>>, vector<16xi32>,
      %bitcast3A_463 = vector.bitcast %get3A_462 : vector<16xi32> to vector<32xbf16>
      %unpack3A_464 = tpu.unpack_subelements %bitcast3A_463, 0 {pack_format = #tpu.pack_format<interleaved>} : vector<32xbf16> -> vector<16xf32>
      %unpack3A_465 = tpu.unpack_subelements %bitcast3A_463, 1 {pack_format = #tpu.pack_format<interleaved>} : vector<32xbf16> -> vector<16xf32>
      %add3A_466 = arith.addf %add3A_373, %unpack3A_464 : vector<16xf32>
      %add3A_467 = arith.addf %add3A_374, %unpack3A_465 : vector<16xf32>
      %add3A_468 = arith.constant 8 : i32
      %add3A_469 = arith.addi %add3A_385, %add3A_468 : i32
      %lt3A_470 = arith.constant 200 : i32
      %lt3A_471 = arith.cmpi slt, %add3A_469, %lt3A_470 : i32
      %convert_element_type3A_472 = arith.extui %lt3A_471 : i1 to i32
      %cond3A_473 = arith.constant 0 : i32
      %cond3A_474 = arith.cmpi ne, %convert_element_type3A_472, %cond3A_473 : i32
      scf.if %cond3A_474 {
        %dma_start3A_940 = arith.constant 2 : i32
        %dma_start3A_941 = arith.constant 0 : i32
        %dma_start3A_942 = tpu.memref_slice %arg7[%dma_start3A_940, %dma_start3A_941] : memref<8x128xi32, #tpu.memory_space<vmem>> -> memref<1x128xi32, #tpu.memory_space<vmem>>
        %dma_start3A_943 = tpu.memref_squeeze %dma_start3A_942 : memref<1x128xi32, #tpu.memory_space<vmem>> -> memref<128xi32, #tpu.memory_space<vmem>>
        %dma_start3A_944 = arith.constant 0 : i32
        %dma_start3A_945 = tpu.memref_slice %arg6[%add3A_469, %dma_start3A_944] : memref<200x128xi32, #tpu.memory_space<vmem>> -> memref<1x128xi32, #tpu.memory_space<vmem>>
        %dma_start3A_946 = tpu.memref_squeeze %dma_start3A_945 : memref<1x128xi32, #tpu.memory_space<vmem>> -> memref<128xi32, #tpu.memory_space<vmem>>
        %dma_start3A_947 = arith.constant 0 : i32
        %dma_start3A_948 = tpu.memref_slice %arg10[%dma_start3A_947] : memref<1015808xi32, #tpu.memory_space<vmem_shared>> -> memref<1015808xi32, #tpu.memory_space<vmem_shared>>
        tpu.enqueue_indirect_dma source(%dma_start3A_948 : memref<1015808xi32, #tpu.memory_space<vmem_shared>>) target(%dma_start3A_943 : memref<128xi32, #tpu.memory_space<vmem>>) offsets(%dma_start3A_946 : memref<128xi32, #tpu.memory_space<vmem>>) semaphore(%arg13 : memref<!tpu.dma_semaphore, #tpu.memory_space<semaphore_mem>>)
      } else {
      }
      %mul3A_475 = arith.constant 8 : i32
      %mul3A_476 = arith.muli %mul3A_475, %scan3A_185 : i32
      %add3A_477 = arith.constant 3 : i32
      %add3A_478 = arith.addi %mul3A_476, %add3A_477 : i32
      %dma_wait3A_479 = arith.constant 0 : i32
      %dma_wait3A_480 = arith.constant 3 : i32
      %dma_wait3A_481 = arith.constant 0 : i32
      %dma_wait3A_482 = tpu.memref_slice %arg7[%dma_wait3A_480, %dma_wait3A_481] : memref<8x128xi32, #tpu.memory_space<vmem>> -> memref<1x128xi32, #tpu.memory_space<vmem>>
      %dma_wait3A_483 = tpu.memref_squeeze %dma_wait3A_482 : memref<1x128xi32, #tpu.memory_space<vmem>> -> memref<128xi32, #tpu.memory_space<vmem>>
      %dma_wait3A_484 = arith.constant 0 : i32
      %dma_wait3A_485 = tpu.memref_slice %arg6[%dma_wait3A_479, %dma_wait3A_484] : memref<200x128xi32, #tpu.memory_space<vmem>> -> memref<1x128xi32, #tpu.memory_space<vmem>>
      %dma_wait3A_486 = tpu.memref_squeeze %dma_wait3A_485 : memref<1x128xi32, #tpu.memory_space<vmem>> -> memref<128xi32, #tpu.memory_space<vmem>>
      %dma_wait3A_487 = arith.constant 0 : i32
      %dma_wait3A_488 = tpu.memref_slice %arg10[%dma_wait3A_487] : memref<1015808xi32, #tpu.memory_space<vmem_shared>> -> memref<1015808xi32, #tpu.memory_space<vmem_shared>>
      tpu.wait_indirect_dma semaphore(%arg14 : memref<!tpu.dma_semaphore, #tpu.memory_space<semaphore_mem>>) src(%dma_wait3A_488 : memref<1015808xi32, #tpu.memory_space<vmem_shared>>) dst(%dma_wait3A_483 : memref<128xi32, #tpu.memory_space<vmem>>)
      %get3A_489 = arith.constant 3 : i32
      %get3A_490 = arith.index_cast %get3A_489 : i32 to index
      %get3A_491 = arith.constant 0 : index
      %get3A_492 = tpu.vector_load %arg7[%get3A_490, %get3A_491] {strides = array<i32>} : memref<8x128xi32, #tpu.memory_space<vmem>>, vector<16xi32>,
      %bitcast3A_493 = vector.bitcast %get3A_492 : vector<16xi32> to vector<32xbf16>
      %unpack3A_494 = tpu.unpack_subelements %bitcast3A_493, 0 {pack_format = #tpu.pack_format<interleaved>} : vector<32xbf16> -> vector<16xf32>
      %unpack3A_495 = tpu.unpack_subelements %bitcast3A_493, 1 {pack_format = #tpu.pack_format<interleaved>} : vector<32xbf16> -> vector<16xf32>
      %add3A_496 = arith.addf %add3A_403, %unpack3A_494 : vector<16xf32>
      %add3A_497 = arith.addf %add3A_404, %unpack3A_495 : vector<16xf32>
      %get3A_498 = arith.constant 3 : i32
      %get3A_499 = arith.index_cast %get3A_498 : i32 to index
      %get3A_500 = arith.constant 16 : index
      %get3A_501 = tpu.vector_load %arg7[%get3A_499, %get3A_500] {strides = array<i32>} : memref<8x128xi32, #tpu.memory_space<vmem>>, vector<16xi32>,
      %bitcast3A_502 = vector.bitcast %get3A_501 : vector<16xi32> to vector<32xbf16>
      %unpack3A_503 = tpu.unpack_subelements %bitcast3A_502, 0 {pack_format = #tpu.pack_format<interleaved>} : vector<32xbf16> -> vector<16xf32>
      %unpack3A_504 = tpu.unpack_subelements %bitcast3A_502, 1 {pack_format = #tpu.pack_format<interleaved>} : vector<32xbf16> -> vector<16xf32>
      %add3A_505 = arith.addf %add3A_412, %unpack3A_503 : vector<16xf32>
      %add3A_506 = arith.addf %add3A_413, %unpack3A_504 : vector<16xf32>
      %get3A_507 = arith.constant 3 : i32
      %get3A_508 = arith.index_cast %get3A_507 : i32 to index
      %get3A_509 = arith.constant 32 : index
      %get3A_510 = tpu.vector_load %arg7[%get3A_508, %get3A_509] {strides = array<i32>} : memref<8x128xi32, #tpu.memory_space<vmem>>, vector<16xi32>,
      %bitcast3A_511 = vector.bitcast %get3A_510 : vector<16xi32> to vector<32xbf16>
      %unpack3A_512 = tpu.unpack_subelements %bitcast3A_511, 0 {pack_format = #tpu.pack_format<interleaved>} : vector<32xbf16> -> vector<16xf32>
      %unpack3A_513 = tpu.unpack_subelements %bitcast3A_511, 1 {pack_format = #tpu.pack_format<interleaved>} : vector<32xbf16> -> vector<16xf32>
      %add3A_514 = arith.addf %add3A_421, %unpack3A_512 : vector<16xf32>
      %add3A_515 = arith.addf %add3A_422, %unpack3A_513 : vector<16xf32>
      %get3A_516 = arith.constant 3 : i32
      %get3A_517 = arith.index_cast %get3A_516 : i32 to index
      %get3A_518 = arith.constant 48 : index
      %get3A_519 = tpu.vector_load %arg7[%get3A_517, %get3A_518] {strides = array<i32>} : memref<8x128xi32, #tpu.memory_space<vmem>>, vector<16xi32>,
      %bitcast3A_520 = vector.bitcast %get3A_519 : vector<16xi32> to vector<32xbf16>
      %unpack3A_521 = tpu.unpack_subelements %bitcast3A_520, 0 {pack_format = #tpu.pack_format<interleaved>} : vector<32xbf16> -> vector<16xf32>
      %unpack3A_522 = tpu.unpack_subelements %bitcast3A_520, 1 {pack_format = #tpu.pack_format<interleaved>} : vector<32xbf16> -> vector<16xf32>
      %add3A_523 = arith.addf %add3A_430, %unpack3A_521 : vector<16xf32>
      %add3A_524 = arith.addf %add3A_431, %unpack3A_522 : vector<16xf32>
      %get3A_525 = arith.constant 3 : i32
      %get3A_526 = arith.index_cast %get3A_525 : i32 to index
      %get3A_527 = arith.constant 64 : index
      %get3A_528 = tpu.vector_load %arg7[%get3A_526, %get3A_527] {strides = array<i32>} : memref<8x128xi32, #tpu.memory_space<vmem>>, vector<16xi32>,
      %bitcast3A_529 = vector.bitcast %get3A_528 : vector<16xi32> to vector<32xbf16>
      %unpack3A_530 = tpu.unpack_subelements %bitcast3A_529, 0 {pack_format = #tpu.pack_format<interleaved>} : vector<32xbf16> -> vector<16xf32>
      %unpack3A_531 = tpu.unpack_subelements %bitcast3A_529, 1 {pack_format = #tpu.pack_format<interleaved>} : vector<32xbf16> -> vector<16xf32>
      %add3A_532 = arith.addf %add3A_439, %unpack3A_530 : vector<16xf32>
      %add3A_533 = arith.addf %add3A_440, %unpack3A_531 : vector<16xf32>
      %get3A_534 = arith.constant 3 : i32
      %get3A_535 = arith.index_cast %get3A_534 : i32 to index
      %get3A_536 = arith.constant 80 : index
      %get3A_537 = tpu.vector_load %arg7[%get3A_535, %get3A_536] {strides = array<i32>} : memref<8x128xi32, #tpu.memory_space<vmem>>, vector<16xi32>,
      %bitcast3A_538 = vector.bitcast %get3A_537 : vector<16xi32> to vector<32xbf16>
      %unpack3A_539 = tpu.unpack_subelements %bitcast3A_538, 0 {pack_format = #tpu.pack_format<interleaved>} : vector<32xbf16> -> vector<16xf32>
      %unpack3A_540 = tpu.unpack_subelements %bitcast3A_538, 1 {pack_format = #tpu.pack_format<interleaved>} : vector<32xbf16> -> vector<16xf32>
      %add3A_541 = arith.addf %add3A_448, %unpack3A_539 : vector<16xf32>
      %add3A_542 = arith.addf %add3A_449, %unpack3A_540 : vector<16xf32>
      %get3A_543 = arith.constant 3 : i32
      %get3A_544 = arith.index_cast %get3A_543 : i32 to index
      %get3A_545 = arith.constant 96 : index
      %get3A_546 = tpu.vector_load %arg7[%get3A_544, %get3A_545] {strides = array<i32>} : memref<8x128xi32, #tpu.memory_space<vmem>>, vector<16xi32>,
      %bitcast3A_547 = vector.bitcast %get3A_546 : vector<16xi32> to vector<32xbf16>
      %unpack3A_548 = tpu.unpack_subelements %bitcast3A_547, 0 {pack_format = #tpu.pack_format<interleaved>} : vector<32xbf16> -> vector<16xf32>
      %unpack3A_549 = tpu.unpack_subelements %bitcast3A_547, 1 {pack_format = #tpu.pack_format<interleaved>} : vector<32xbf16> -> vector<16xf32>
      %add3A_550 = arith.addf %add3A_457, %unpack3A_548 : vector<16xf32>
      %add3A_551 = arith.addf %add3A_458, %unpack3A_549 : vector<16xf32>
      %get3A_552 = arith.constant 3 : i32
      %get3A_553 = arith.index_cast %get3A_552 : i32 to index
      %get3A_554 = arith.constant 112 : index
      %get3A_555 = tpu.vector_load %arg7[%get3A_553, %get3A_554] {strides = array<i32>} : memref<8x128xi32, #tpu.memory_space<vmem>>, vector<16xi32>,
      %bitcast3A_556 = vector.bitcast %get3A_555 : vector<16xi32> to vector<32xbf16>
      %unpack3A_557 = tpu.unpack_subelements %bitcast3A_556, 0 {pack_format = #tpu.pack_format<interleaved>} : vector<32xbf16> -> vector<16xf32>
      %unpack3A_558 = tpu.unpack_subelements %bitcast3A_556, 1 {pack_format = #tpu.pack_format<interleaved>} : vector<32xbf16> -> vector<16xf32>
      %add3A_559 = arith.addf %add3A_466, %unpack3A_557 : vector<16xf32>
      %add3A_560 = arith.addf %add3A_467, %unpack3A_558 : vector<16xf32>
      %add3A_561 = arith.constant 8 : i32
      %add3A_562 = arith.addi %add3A_478, %add3A_561 : i32
      %lt3A_563 = arith.constant 200 : i32
      %lt3A_564 = arith.cmpi slt, %add3A_562, %lt3A_563 : i32
      %convert_element_type3A_565 = arith.extui %lt3A_564 : i1 to i32
      %cond3A_566 = arith.constant 0 : i32
      %cond3A_567 = arith.cmpi ne, %convert_element_type3A_565, %cond3A_566 : i32
      scf.if %cond3A_567 {
        %dma_start3A_940 = arith.constant 3 : i32
        %dma_start3A_941 = arith.constant 0 : i32
        %dma_start3A_942 = tpu.memref_slice %arg7[%dma_start3A_940, %dma_start3A_941] : memref<8x128xi32, #tpu.memory_space<vmem>> -> memref<1x128xi32, #tpu.memory_space<vmem>>
        %dma_start3A_943 = tpu.memref_squeeze %dma_start3A_942 : memref<1x128xi32, #tpu.memory_space<vmem>> -> memref<128xi32, #tpu.memory_space<vmem>>
        %dma_start3A_944 = arith.constant 0 : i32
        %dma_start3A_945 = tpu.memref_slice %arg6[%add3A_562, %dma_start3A_944] : memref<200x128xi32, #tpu.memory_space<vmem>> -> memref<1x128xi32, #tpu.memory_space<vmem>>
        %dma_start3A_946 = tpu.memref_squeeze %dma_start3A_945 : memref<1x128xi32, #tpu.memory_space<vmem>> -> memref<128xi32, #tpu.memory_space<vmem>>
        %dma_start3A_947 = arith.constant 0 : i32
        %dma_start3A_948 = tpu.memref_slice %arg10[%dma_start3A_947] : memref<1015808xi32, #tpu.memory_space<vmem_shared>> -> memref<1015808xi32, #tpu.memory_space<vmem_shared>>
        tpu.enqueue_indirect_dma source(%dma_start3A_948 : memref<1015808xi32, #tpu.memory_space<vmem_shared>>) target(%dma_start3A_943 : memref<128xi32, #tpu.memory_space<vmem>>) offsets(%dma_start3A_946 : memref<128xi32, #tpu.memory_space<vmem>>) semaphore(%arg14 : memref<!tpu.dma_semaphore, #tpu.memory_space<semaphore_mem>>)
      } else {
      }
      %mul3A_568 = arith.constant 8 : i32
      %mul3A_569 = arith.muli %mul3A_568, %scan3A_185 : i32
      %add3A_570 = arith.constant 4 : i32
      %add3A_571 = arith.addi %mul3A_569, %add3A_570 : i32
      %dma_wait3A_572 = arith.constant 0 : i32
      %dma_wait3A_573 = arith.constant 4 : i32
      %dma_wait3A_574 = arith.constant 0 : i32
      %dma_wait3A_575 = tpu.memref_slice %arg7[%dma_wait3A_573, %dma_wait3A_574] : memref<8x128xi32, #tpu.memory_space<vmem>> -> memref<1x128xi32, #tpu.memory_space<vmem>>
      %dma_wait3A_576 = tpu.memref_squeeze %dma_wait3A_575 : memref<1x128xi32, #tpu.memory_space<vmem>> -> memref<128xi32, #tpu.memory_space<vmem>>
      %dma_wait3A_577 = arith.constant 0 : i32
      %dma_wait3A_578 = tpu.memref_slice %arg6[%dma_wait3A_572, %dma_wait3A_577] : memref<200x128xi32, #tpu.memory_space<vmem>> -> memref<1x128xi32, #tpu.memory_space<vmem>>
      %dma_wait3A_579 = tpu.memref_squeeze %dma_wait3A_578 : memref<1x128xi32, #tpu.memory_space<vmem>> -> memref<128xi32, #tpu.memory_space<vmem>>
      %dma_wait3A_580 = arith.constant 0 : i32
      %dma_wait3A_581 = tpu.memref_slice %arg10[%dma_wait3A_580] : memref<1015808xi32, #tpu.memory_space<vmem_shared>> -> memref<1015808xi32, #tpu.memory_space<vmem_shared>>
      tpu.wait_indirect_dma semaphore(%arg15 : memref<!tpu.dma_semaphore, #tpu.memory_space<semaphore_mem>>) src(%dma_wait3A_581 : memref<1015808xi32, #tpu.memory_space<vmem_shared>>) dst(%dma_wait3A_576 : memref<128xi32, #tpu.memory_space<vmem>>)
      %get3A_582 = arith.constant 4 : i32
      %get3A_583 = arith.index_cast %get3A_582 : i32 to index
      %get3A_584 = arith.constant 0 : index
      %get3A_585 = tpu.vector_load %arg7[%get3A_583, %get3A_584] {strides = array<i32>} : memref<8x128xi32, #tpu.memory_space<vmem>>, vector<16xi32>,
      %bitcast3A_586 = vector.bitcast %get3A_585 : vector<16xi32> to vector<32xbf16>
      %unpack3A_587 = tpu.unpack_subelements %bitcast3A_586, 0 {pack_format = #tpu.pack_format<interleaved>} : vector<32xbf16> -> vector<16xf32>
      %unpack3A_588 = tpu.unpack_subelements %bitcast3A_586, 1 {pack_format = #tpu.pack_format<interleaved>} : vector<32xbf16> -> vector<16xf32>
      %add3A_589 = arith.addf %add3A_496, %unpack3A_587 : vector<16xf32>
      %add3A_590 = arith.addf %add3A_497, %unpack3A_588 : vector<16xf32>
      %get3A_591 = arith.constant 4 : i32
      %get3A_592 = arith.index_cast %get3A_591 : i32 to index
      %get3A_593 = arith.constant 16 : index
      %get3A_594 = tpu.vector_load %arg7[%get3A_592, %get3A_593] {strides = array<i32>} : memref<8x128xi32, #tpu.memory_space<vmem>>, vector<16xi32>,
      %bitcast3A_595 = vector.bitcast %get3A_594 : vector<16xi32> to vector<32xbf16>
      %unpack3A_596 = tpu.unpack_subelements %bitcast3A_595, 0 {pack_format = #tpu.pack_format<interleaved>} : vector<32xbf16> -> vector<16xf32>
      %unpack3A_597 = tpu.unpack_subelements %bitcast3A_595, 1 {pack_format = #tpu.pack_format<interleaved>} : vector<32xbf16> -> vector<16xf32>
      %add3A_598 = arith.addf %add3A_505, %unpack3A_596 : vector<16xf32>
      %add3A_599 = arith.addf %add3A_506, %unpack3A_597 : vector<16xf32>
      %get3A_600 = arith.constant 4 : i32
      %get3A_601 = arith.index_cast %get3A_600 : i32 to index
      %get3A_602 = arith.constant 32 : index
      %get3A_603 = tpu.vector_load %arg7[%get3A_601, %get3A_602] {strides = array<i32>} : memref<8x128xi32, #tpu.memory_space<vmem>>, vector<16xi32>,
      %bitcast3A_604 = vector.bitcast %get3A_603 : vector<16xi32> to vector<32xbf16>
      %unpack3A_605 = tpu.unpack_subelements %bitcast3A_604, 0 {pack_format = #tpu.pack_format<interleaved>} : vector<32xbf16> -> vector<16xf32>
      %unpack3A_606 = tpu.unpack_subelements %bitcast3A_604, 1 {pack_format = #tpu.pack_format<interleaved>} : vector<32xbf16> -> vector<16xf32>
      %add3A_607 = arith.addf %add3A_514, %unpack3A_605 : vector<16xf32>
      %add3A_608 = arith.addf %add3A_515, %unpack3A_606 : vector<16xf32>
      %get3A_609 = arith.constant 4 : i32
      %get3A_610 = arith.index_cast %get3A_609 : i32 to index
      %get3A_611 = arith.constant 48 : index
      %get3A_612 = tpu.vector_load %arg7[%get3A_610, %get3A_611] {strides = array<i32>} : memref<8x128xi32, #tpu.memory_space<vmem>>, vector<16xi32>,
      %bitcast3A_613 = vector.bitcast %get3A_612 : vector<16xi32> to vector<32xbf16>
      %unpack3A_614 = tpu.unpack_subelements %bitcast3A_613, 0 {pack_format = #tpu.pack_format<interleaved>} : vector<32xbf16> -> vector<16xf32>
      %unpack3A_615 = tpu.unpack_subelements %bitcast3A_613, 1 {pack_format = #tpu.pack_format<interleaved>} : vector<32xbf16> -> vector<16xf32>
      %add3A_616 = arith.addf %add3A_523, %unpack3A_614 : vector<16xf32>
      %add3A_617 = arith.addf %add3A_524, %unpack3A_615 : vector<16xf32>
      %get3A_618 = arith.constant 4 : i32
      %get3A_619 = arith.index_cast %get3A_618 : i32 to index
      %get3A_620 = arith.constant 64 : index
      %get3A_621 = tpu.vector_load %arg7[%get3A_619, %get3A_620] {strides = array<i32>} : memref<8x128xi32, #tpu.memory_space<vmem>>, vector<16xi32>,
      %bitcast3A_622 = vector.bitcast %get3A_621 : vector<16xi32> to vector<32xbf16>
      %unpack3A_623 = tpu.unpack_subelements %bitcast3A_622, 0 {pack_format = #tpu.pack_format<interleaved>} : vector<32xbf16> -> vector<16xf32>
      %unpack3A_624 = tpu.unpack_subelements %bitcast3A_622, 1 {pack_format = #tpu.pack_format<interleaved>} : vector<32xbf16> -> vector<16xf32>
      %add3A_625 = arith.addf %add3A_532, %unpack3A_623 : vector<16xf32>
      %add3A_626 = arith.addf %add3A_533, %unpack3A_624 : vector<16xf32>
      %get3A_627 = arith.constant 4 : i32
      %get3A_628 = arith.index_cast %get3A_627 : i32 to index
      %get3A_629 = arith.constant 80 : index
      %get3A_630 = tpu.vector_load %arg7[%get3A_628, %get3A_629] {strides = array<i32>} : memref<8x128xi32, #tpu.memory_space<vmem>>, vector<16xi32>,
      %bitcast3A_631 = vector.bitcast %get3A_630 : vector<16xi32> to vector<32xbf16>
      %unpack3A_632 = tpu.unpack_subelements %bitcast3A_631, 0 {pack_format = #tpu.pack_format<interleaved>} : vector<32xbf16> -> vector<16xf32>
      %unpack3A_633 = tpu.unpack_subelements %bitcast3A_631, 1 {pack_format = #tpu.pack_format<interleaved>} : vector<32xbf16> -> vector<16xf32>
      %add3A_634 = arith.addf %add3A_541, %unpack3A_632 : vector<16xf32>
      %add3A_635 = arith.addf %add3A_542, %unpack3A_633 : vector<16xf32>
      %get3A_636 = arith.constant 4 : i32
      %get3A_637 = arith.index_cast %get3A_636 : i32 to index
      %get3A_638 = arith.constant 96 : index
      %get3A_639 = tpu.vector_load %arg7[%get3A_637, %get3A_638] {strides = array<i32>} : memref<8x128xi32, #tpu.memory_space<vmem>>, vector<16xi32>,
      %bitcast3A_640 = vector.bitcast %get3A_639 : vector<16xi32> to vector<32xbf16>
      %unpack3A_641 = tpu.unpack_subelements %bitcast3A_640, 0 {pack_format = #tpu.pack_format<interleaved>} : vector<32xbf16> -> vector<16xf32>
      %unpack3A_642 = tpu.unpack_subelements %bitcast3A_640, 1 {pack_format = #tpu.pack_format<interleaved>} : vector<32xbf16> -> vector<16xf32>
      %add3A_643 = arith.addf %add3A_550, %unpack3A_641 : vector<16xf32>
      %add3A_644 = arith.addf %add3A_551, %unpack3A_642 : vector<16xf32>
      %get3A_645 = arith.constant 4 : i32
      %get3A_646 = arith.index_cast %get3A_645 : i32 to index
      %get3A_647 = arith.constant 112 : index
      %get3A_648 = tpu.vector_load %arg7[%get3A_646, %get3A_647] {strides = array<i32>} : memref<8x128xi32, #tpu.memory_space<vmem>>, vector<16xi32>,
      %bitcast3A_649 = vector.bitcast %get3A_648 : vector<16xi32> to vector<32xbf16>
      %unpack3A_650 = tpu.unpack_subelements %bitcast3A_649, 0 {pack_format = #tpu.pack_format<interleaved>} : vector<32xbf16> -> vector<16xf32>
      %unpack3A_651 = tpu.unpack_subelements %bitcast3A_649, 1 {pack_format = #tpu.pack_format<interleaved>} : vector<32xbf16> -> vector<16xf32>
      %add3A_652 = arith.addf %add3A_559, %unpack3A_650 : vector<16xf32>
      %add3A_653 = arith.addf %add3A_560, %unpack3A_651 : vector<16xf32>
      %add3A_654 = arith.constant 8 : i32
      %add3A_655 = arith.addi %add3A_571, %add3A_654 : i32
      %lt3A_656 = arith.constant 200 : i32
      %lt3A_657 = arith.cmpi slt, %add3A_655, %lt3A_656 : i32
      %convert_element_type3A_658 = arith.extui %lt3A_657 : i1 to i32
      %cond3A_659 = arith.constant 0 : i32
      %cond3A_660 = arith.cmpi ne, %convert_element_type3A_658, %cond3A_659 : i32
      scf.if %cond3A_660 {
        %dma_start3A_940 = arith.constant 4 : i32
        %dma_start3A_941 = arith.constant 0 : i32
        %dma_start3A_942 = tpu.memref_slice %arg7[%dma_start3A_940, %dma_start3A_941] : memref<8x128xi32, #tpu.memory_space<vmem>> -> memref<1x128xi32, #tpu.memory_space<vmem>>
        %dma_start3A_943 = tpu.memref_squeeze %dma_start3A_942 : memref<1x128xi32, #tpu.memory_space<vmem>> -> memref<128xi32, #tpu.memory_space<vmem>>
        %dma_start3A_944 = arith.constant 0 : i32
        %dma_start3A_945 = tpu.memref_slice %arg6[%add3A_655, %dma_start3A_944] : memref<200x128xi32, #tpu.memory_space<vmem>> -> memref<1x128xi32, #tpu.memory_space<vmem>>
        %dma_start3A_946 = tpu.memref_squeeze %dma_start3A_945 : memref<1x128xi32, #tpu.memory_space<vmem>> -> memref<128xi32, #tpu.memory_space<vmem>>
        %dma_start3A_947 = arith.constant 0 : i32
        %dma_start3A_948 = tpu.memref_slice %arg10[%dma_start3A_947] : memref<1015808xi32, #tpu.memory_space<vmem_shared>> -> memref<1015808xi32, #tpu.memory_space<vmem_shared>>
        tpu.enqueue_indirect_dma source(%dma_start3A_948 : memref<1015808xi32, #tpu.memory_space<vmem_shared>>) target(%dma_start3A_943 : memref<128xi32, #tpu.memory_space<vmem>>) offsets(%dma_start3A_946 : memref<128xi32, #tpu.memory_space<vmem>>) semaphore(%arg15 : memref<!tpu.dma_semaphore, #tpu.memory_space<semaphore_mem>>)
      } else {
      }
      %mul3A_661 = arith.constant 8 : i32
      %mul3A_662 = arith.muli %mul3A_661, %scan3A_185 : i32
      %add3A_663 = arith.constant 5 : i32
      %add3A_664 = arith.addi %mul3A_662, %add3A_663 : i32
      %dma_wait3A_665 = arith.constant 0 : i32
      %dma_wait3A_666 = arith.constant 5 : i32
      %dma_wait3A_667 = arith.constant 0 : i32
      %dma_wait3A_668 = tpu.memref_slice %arg7[%dma_wait3A_666, %dma_wait3A_667] : memref<8x128xi32, #tpu.memory_space<vmem>> -> memref<1x128xi32, #tpu.memory_space<vmem>>
      %dma_wait3A_669 = tpu.memref_squeeze %dma_wait3A_668 : memref<1x128xi32, #tpu.memory_space<vmem>> -> memref<128xi32, #tpu.memory_space<vmem>>
      %dma_wait3A_670 = arith.constant 0 : i32
      %dma_wait3A_671 = tpu.memref_slice %arg6[%dma_wait3A_665, %dma_wait3A_670] : memref<200x128xi32, #tpu.memory_space<vmem>> -> memref<1x128xi32, #tpu.memory_space<vmem>>
      %dma_wait3A_672 = tpu.memref_squeeze %dma_wait3A_671 : memref<1x128xi32, #tpu.memory_space<vmem>> -> memref<128xi32, #tpu.memory_space<vmem>>
      %dma_wait3A_673 = arith.constant 0 : i32
      %dma_wait3A_674 = tpu.memref_slice %arg10[%dma_wait3A_673] : memref<1015808xi32, #tpu.memory_space<vmem_shared>> -> memref<1015808xi32, #tpu.memory_space<vmem_shared>>
      tpu.wait_indirect_dma semaphore(%arg16 : memref<!tpu.dma_semaphore, #tpu.memory_space<semaphore_mem>>) src(%dma_wait3A_674 : memref<1015808xi32, #tpu.memory_space<vmem_shared>>) dst(%dma_wait3A_669 : memref<128xi32, #tpu.memory_space<vmem>>)
      %get3A_675 = arith.constant 5 : i32
      %get3A_676 = arith.index_cast %get3A_675 : i32 to index
      %get3A_677 = arith.constant 0 : index
      %get3A_678 = tpu.vector_load %arg7[%get3A_676, %get3A_677] {strides = array<i32>} : memref<8x128xi32, #tpu.memory_space<vmem>>, vector<16xi32>,
      %bitcast3A_679 = vector.bitcast %get3A_678 : vector<16xi32> to vector<32xbf16>
      %unpack3A_680 = tpu.unpack_subelements %bitcast3A_679, 0 {pack_format = #tpu.pack_format<interleaved>} : vector<32xbf16> -> vector<16xf32>
      %unpack3A_681 = tpu.unpack_subelements %bitcast3A_679, 1 {pack_format = #tpu.pack_format<interleaved>} : vector<32xbf16> -> vector<16xf32>
      %add3A_682 = arith.addf %add3A_589, %unpack3A_680 : vector<16xf32>
      %add3A_683 = arith.addf %add3A_590, %unpack3A_681 : vector<16xf32>
      %get3A_684 = arith.constant 5 : i32
      %get3A_685 = arith.index_cast %get3A_684 : i32 to index
      %get3A_686 = arith.constant 16 : index
      %get3A_687 = tpu.vector_load %arg7[%get3A_685, %get3A_686] {strides = array<i32>} : memref<8x128xi32, #tpu.memory_space<vmem>>, vector<16xi32>,
      %bitcast3A_688 = vector.bitcast %get3A_687 : vector<16xi32> to vector<32xbf16>
      %unpack3A_689 = tpu.unpack_subelements %bitcast3A_688, 0 {pack_format = #tpu.pack_format<interleaved>} : vector<32xbf16> -> vector<16xf32>
      %unpack3A_690 = tpu.unpack_subelements %bitcast3A_688, 1 {pack_format = #tpu.pack_format<interleaved>} : vector<32xbf16> -> vector<16xf32>
      %add3A_691 = arith.addf %add3A_598, %unpack3A_689 : vector<16xf32>
      %add3A_692 = arith.addf %add3A_599, %unpack3A_690 : vector<16xf32>
      %get3A_693 = arith.constant 5 : i32
      %get3A_694 = arith.index_cast %get3A_693 : i32 to index
      %get3A_695 = arith.constant 32 : index
      %get3A_696 = tpu.vector_load %arg7[%get3A_694, %get3A_695] {strides = array<i32>} : memref<8x128xi32, #tpu.memory_space<vmem>>, vector<16xi32>,
      %bitcast3A_697 = vector.bitcast %get3A_696 : vector<16xi32> to vector<32xbf16>
      %unpack3A_698 = tpu.unpack_subelements %bitcast3A_697, 0 {pack_format = #tpu.pack_format<interleaved>} : vector<32xbf16> -> vector<16xf32>
      %unpack3A_699 = tpu.unpack_subelements %bitcast3A_697, 1 {pack_format = #tpu.pack_format<interleaved>} : vector<32xbf16> -> vector<16xf32>
      %add3A_700 = arith.addf %add3A_607, %unpack3A_698 : vector<16xf32>
      %add3A_701 = arith.addf %add3A_608, %unpack3A_699 : vector<16xf32>
      %get3A_702 = arith.constant 5 : i32
      %get3A_703 = arith.index_cast %get3A_702 : i32 to index
      %get3A_704 = arith.constant 48 : index
      %get3A_705 = tpu.vector_load %arg7[%get3A_703, %get3A_704] {strides = array<i32>} : memref<8x128xi32, #tpu.memory_space<vmem>>, vector<16xi32>,
      %bitcast3A_706 = vector.bitcast %get3A_705 : vector<16xi32> to vector<32xbf16>
      %unpack3A_707 = tpu.unpack_subelements %bitcast3A_706, 0 {pack_format = #tpu.pack_format<interleaved>} : vector<32xbf16> -> vector<16xf32>
      %unpack3A_708 = tpu.unpack_subelements %bitcast3A_706, 1 {pack_format = #tpu.pack_format<interleaved>} : vector<32xbf16> -> vector<16xf32>
      %add3A_709 = arith.addf %add3A_616, %unpack3A_707 : vector<16xf32>
      %add3A_710 = arith.addf %add3A_617, %unpack3A_708 : vector<16xf32>
      %get3A_711 = arith.constant 5 : i32
      %get3A_712 = arith.index_cast %get3A_711 : i32 to index
      %get3A_713 = arith.constant 64 : index
      %get3A_714 = tpu.vector_load %arg7[%get3A_712, %get3A_713] {strides = array<i32>} : memref<8x128xi32, #tpu.memory_space<vmem>>, vector<16xi32>,
      %bitcast3A_715 = vector.bitcast %get3A_714 : vector<16xi32> to vector<32xbf16>
      %unpack3A_716 = tpu.unpack_subelements %bitcast3A_715, 0 {pack_format = #tpu.pack_format<interleaved>} : vector<32xbf16> -> vector<16xf32>
      %unpack3A_717 = tpu.unpack_subelements %bitcast3A_715, 1 {pack_format = #tpu.pack_format<interleaved>} : vector<32xbf16> -> vector<16xf32>
      %add3A_718 = arith.addf %add3A_625, %unpack3A_716 : vector<16xf32>
      %add3A_719 = arith.addf %add3A_626, %unpack3A_717 : vector<16xf32>
      %get3A_720 = arith.constant 5 : i32
      %get3A_721 = arith.index_cast %get3A_720 : i32 to index
      %get3A_722 = arith.constant 80 : index
      %get3A_723 = tpu.vector_load %arg7[%get3A_721, %get3A_722] {strides = array<i32>} : memref<8x128xi32, #tpu.memory_space<vmem>>, vector<16xi32>,
      %bitcast3A_724 = vector.bitcast %get3A_723 : vector<16xi32> to vector<32xbf16>
      %unpack3A_725 = tpu.unpack_subelements %bitcast3A_724, 0 {pack_format = #tpu.pack_format<interleaved>} : vector<32xbf16> -> vector<16xf32>
      %unpack3A_726 = tpu.unpack_subelements %bitcast3A_724, 1 {pack_format = #tpu.pack_format<interleaved>} : vector<32xbf16> -> vector<16xf32>
      %add3A_727 = arith.addf %add3A_634, %unpack3A_725 : vector<16xf32>
      %add3A_728 = arith.addf %add3A_635, %unpack3A_726 : vector<16xf32>
      %get3A_729 = arith.constant 5 : i32
      %get3A_730 = arith.index_cast %get3A_729 : i32 to index
      %get3A_731 = arith.constant 96 : index
      %get3A_732 = tpu.vector_load %arg7[%get3A_730, %get3A_731] {strides = array<i32>} : memref<8x128xi32, #tpu.memory_space<vmem>>, vector<16xi32>,
      %bitcast3A_733 = vector.bitcast %get3A_732 : vector<16xi32> to vector<32xbf16>
      %unpack3A_734 = tpu.unpack_subelements %bitcast3A_733, 0 {pack_format = #tpu.pack_format<interleaved>} : vector<32xbf16> -> vector<16xf32>
      %unpack3A_735 = tpu.unpack_subelements %bitcast3A_733, 1 {pack_format = #tpu.pack_format<interleaved>} : vector<32xbf16> -> vector<16xf32>
      %add3A_736 = arith.addf %add3A_643, %unpack3A_734 : vector<16xf32>
      %add3A_737 = arith.addf %add3A_644, %unpack3A_735 : vector<16xf32>
      %get3A_738 = arith.constant 5 : i32
      %get3A_739 = arith.index_cast %get3A_738 : i32 to index
      %get3A_740 = arith.constant 112 : index
      %get3A_741 = tpu.vector_load %arg7[%get3A_739, %get3A_740] {strides = array<i32>} : memref<8x128xi32, #tpu.memory_space<vmem>>, vector<16xi32>,
      %bitcast3A_742 = vector.bitcast %get3A_741 : vector<16xi32> to vector<32xbf16>
      %unpack3A_743 = tpu.unpack_subelements %bitcast3A_742, 0 {pack_format = #tpu.pack_format<interleaved>} : vector<32xbf16> -> vector<16xf32>
      %unpack3A_744 = tpu.unpack_subelements %bitcast3A_742, 1 {pack_format = #tpu.pack_format<interleaved>} : vector<32xbf16> -> vector<16xf32>
      %add3A_745 = arith.addf %add3A_652, %unpack3A_743 : vector<16xf32>
      %add3A_746 = arith.addf %add3A_653, %unpack3A_744 : vector<16xf32>
      %add3A_747 = arith.constant 8 : i32
      %add3A_748 = arith.addi %add3A_664, %add3A_747 : i32
      %lt3A_749 = arith.constant 200 : i32
      %lt3A_750 = arith.cmpi slt, %add3A_748, %lt3A_749 : i32
      %convert_element_type3A_751 = arith.extui %lt3A_750 : i1 to i32
      %cond3A_752 = arith.constant 0 : i32
      %cond3A_753 = arith.cmpi ne, %convert_element_type3A_751, %cond3A_752 : i32
      scf.if %cond3A_753 {
        %dma_start3A_940 = arith.constant 5 : i32
        %dma_start3A_941 = arith.constant 0 : i32
        %dma_start3A_942 = tpu.memref_slice %arg7[%dma_start3A_940, %dma_start3A_941] : memref<8x128xi32, #tpu.memory_space<vmem>> -> memref<1x128xi32, #tpu.memory_space<vmem>>
        %dma_start3A_943 = tpu.memref_squeeze %dma_start3A_942 : memref<1x128xi32, #tpu.memory_space<vmem>> -> memref<128xi32, #tpu.memory_space<vmem>>
        %dma_start3A_944 = arith.constant 0 : i32
        %dma_start3A_945 = tpu.memref_slice %arg6[%add3A_748, %dma_start3A_944] : memref<200x128xi32, #tpu.memory_space<vmem>> -> memref<1x128xi32, #tpu.memory_space<vmem>>
        %dma_start3A_946 = tpu.memref_squeeze %dma_start3A_945 : memref<1x128xi32, #tpu.memory_space<vmem>> -> memref<128xi32, #tpu.memory_space<vmem>>
        %dma_start3A_947 = arith.constant 0 : i32
        %dma_start3A_948 = tpu.memref_slice %arg10[%dma_start3A_947] : memref<1015808xi32, #tpu.memory_space<vmem_shared>> -> memref<1015808xi32, #tpu.memory_space<vmem_shared>>
        tpu.enqueue_indirect_dma source(%dma_start3A_948 : memref<1015808xi32, #tpu.memory_space<vmem_shared>>) target(%dma_start3A_943 : memref<128xi32, #tpu.memory_space<vmem>>) offsets(%dma_start3A_946 : memref<128xi32, #tpu.memory_space<vmem>>) semaphore(%arg16 : memref<!tpu.dma_semaphore, #tpu.memory_space<semaphore_mem>>)
      } else {
      }
      %mul3A_754 = arith.constant 8 : i32
      %mul3A_755 = arith.muli %mul3A_754, %scan3A_185 : i32
      %add3A_756 = arith.constant 6 : i32
      %add3A_757 = arith.addi %mul3A_755, %add3A_756 : i32
      %dma_wait3A_758 = arith.constant 0 : i32
      %dma_wait3A_759 = arith.constant 6 : i32
      %dma_wait3A_760 = arith.constant 0 : i32
      %dma_wait3A_761 = tpu.memref_slice %arg7[%dma_wait3A_759, %dma_wait3A_760] : memref<8x128xi32, #tpu.memory_space<vmem>> -> memref<1x128xi32, #tpu.memory_space<vmem>>
      %dma_wait3A_762 = tpu.memref_squeeze %dma_wait3A_761 : memref<1x128xi32, #tpu.memory_space<vmem>> -> memref<128xi32, #tpu.memory_space<vmem>>
      %dma_wait3A_763 = arith.constant 0 : i32
      %dma_wait3A_764 = tpu.memref_slice %arg6[%dma_wait3A_758, %dma_wait3A_763] : memref<200x128xi32, #tpu.memory_space<vmem>> -> memref<1x128xi32, #tpu.memory_space<vmem>>
      %dma_wait3A_765 = tpu.memref_squeeze %dma_wait3A_764 : memref<1x128xi32, #tpu.memory_space<vmem>> -> memref<128xi32, #tpu.memory_space<vmem>>
      %dma_wait3A_766 = arith.constant 0 : i32
      %dma_wait3A_767 = tpu.memref_slice %arg10[%dma_wait3A_766] : memref<1015808xi32, #tpu.memory_space<vmem_shared>> -> memref<1015808xi32, #tpu.memory_space<vmem_shared>>
      tpu.wait_indirect_dma semaphore(%arg17 : memref<!tpu.dma_semaphore, #tpu.memory_space<semaphore_mem>>) src(%dma_wait3A_767 : memref<1015808xi32, #tpu.memory_space<vmem_shared>>) dst(%dma_wait3A_762 : memref<128xi32, #tpu.memory_space<vmem>>)
      %get3A_768 = arith.constant 6 : i32
      %get3A_769 = arith.index_cast %get3A_768 : i32 to index
      %get3A_770 = arith.constant 0 : index
      %get3A_771 = tpu.vector_load %arg7[%get3A_769, %get3A_770] {strides = array<i32>} : memref<8x128xi32, #tpu.memory_space<vmem>>, vector<16xi32>,
      %bitcast3A_772 = vector.bitcast %get3A_771 : vector<16xi32> to vector<32xbf16>
      %unpack3A_773 = tpu.unpack_subelements %bitcast3A_772, 0 {pack_format = #tpu.pack_format<interleaved>} : vector<32xbf16> -> vector<16xf32>
      %unpack3A_774 = tpu.unpack_subelements %bitcast3A_772, 1 {pack_format = #tpu.pack_format<interleaved>} : vector<32xbf16> -> vector<16xf32>
      %add3A_775 = arith.addf %add3A_682, %unpack3A_773 : vector<16xf32>
      %add3A_776 = arith.addf %add3A_683, %unpack3A_774 : vector<16xf32>
      %get3A_777 = arith.constant 6 : i32
      %get3A_778 = arith.index_cast %get3A_777 : i32 to index
      %get3A_779 = arith.constant 16 : index
      %get3A_780 = tpu.vector_load %arg7[%get3A_778, %get3A_779] {strides = array<i32>} : memref<8x128xi32, #tpu.memory_space<vmem>>, vector<16xi32>,
      %bitcast3A_781 = vector.bitcast %get3A_780 : vector<16xi32> to vector<32xbf16>
      %unpack3A_782 = tpu.unpack_subelements %bitcast3A_781, 0 {pack_format = #tpu.pack_format<interleaved>} : vector<32xbf16> -> vector<16xf32>
      %unpack3A_783 = tpu.unpack_subelements %bitcast3A_781, 1 {pack_format = #tpu.pack_format<interleaved>} : vector<32xbf16> -> vector<16xf32>
      %add3A_784 = arith.addf %add3A_691, %unpack3A_782 : vector<16xf32>
      %add3A_785 = arith.addf %add3A_692, %unpack3A_783 : vector<16xf32>
      %get3A_786 = arith.constant 6 : i32
      %get3A_787 = arith.index_cast %get3A_786 : i32 to index
      %get3A_788 = arith.constant 32 : index
      %get3A_789 = tpu.vector_load %arg7[%get3A_787, %get3A_788] {strides = array<i32>} : memref<8x128xi32, #tpu.memory_space<vmem>>, vector<16xi32>,
      %bitcast3A_790 = vector.bitcast %get3A_789 : vector<16xi32> to vector<32xbf16>
      %unpack3A_791 = tpu.unpack_subelements %bitcast3A_790, 0 {pack_format = #tpu.pack_format<interleaved>} : vector<32xbf16> -> vector<16xf32>
      %unpack3A_792 = tpu.unpack_subelements %bitcast3A_790, 1 {pack_format = #tpu.pack_format<interleaved>} : vector<32xbf16> -> vector<16xf32>
      %add3A_793 = arith.addf %add3A_700, %unpack3A_791 : vector<16xf32>
      %add3A_794 = arith.addf %add3A_701, %unpack3A_792 : vector<16xf32>
      %get3A_795 = arith.constant 6 : i32
      %get3A_796 = arith.index_cast %get3A_795 : i32 to index
      %get3A_797 = arith.constant 48 : index
      %get3A_798 = tpu.vector_load %arg7[%get3A_796, %get3A_797] {strides = array<i32>} : memref<8x128xi32, #tpu.memory_space<vmem>>, vector<16xi32>,
      %bitcast3A_799 = vector.bitcast %get3A_798 : vector<16xi32> to vector<32xbf16>
      %unpack3A_800 = tpu.unpack_subelements %bitcast3A_799, 0 {pack_format = #tpu.pack_format<interleaved>} : vector<32xbf16> -> vector<16xf32>
      %unpack3A_801 = tpu.unpack_subelements %bitcast3A_799, 1 {pack_format = #tpu.pack_format<interleaved>} : vector<32xbf16> -> vector<16xf32>
      %add3A_802 = arith.addf %add3A_709, %unpack3A_800 : vector<16xf32>
      %add3A_803 = arith.addf %add3A_710, %unpack3A_801 : vector<16xf32>
      %get3A_804 = arith.constant 6 : i32
      %get3A_805 = arith.index_cast %get3A_804 : i32 to index
      %get3A_806 = arith.constant 64 : index
      %get3A_807 = tpu.vector_load %arg7[%get3A_805, %get3A_806] {strides = array<i32>} : memref<8x128xi32, #tpu.memory_space<vmem>>, vector<16xi32>,
      %bitcast3A_808 = vector.bitcast %get3A_807 : vector<16xi32> to vector<32xbf16>
      %unpack3A_809 = tpu.unpack_subelements %bitcast3A_808, 0 {pack_format = #tpu.pack_format<interleaved>} : vector<32xbf16> -> vector<16xf32>
      %unpack3A_810 = tpu.unpack_subelements %bitcast3A_808, 1 {pack_format = #tpu.pack_format<interleaved>} : vector<32xbf16> -> vector<16xf32>
      %add3A_811 = arith.addf %add3A_718, %unpack3A_809 : vector<16xf32>
      %add3A_812 = arith.addf %add3A_719, %unpack3A_810 : vector<16xf32>
      %get3A_813 = arith.constant 6 : i32
      %get3A_814 = arith.index_cast %get3A_813 : i32 to index
      %get3A_815 = arith.constant 80 : index
      %get3A_816 = tpu.vector_load %arg7[%get3A_814, %get3A_815] {strides = array<i32>} : memref<8x128xi32, #tpu.memory_space<vmem>>, vector<16xi32>,
      %bitcast3A_817 = vector.bitcast %get3A_816 : vector<16xi32> to vector<32xbf16>
      %unpack3A_818 = tpu.unpack_subelements %bitcast3A_817, 0 {pack_format = #tpu.pack_format<interleaved>} : vector<32xbf16> -> vector<16xf32>
      %unpack3A_819 = tpu.unpack_subelements %bitcast3A_817, 1 {pack_format = #tpu.pack_format<interleaved>} : vector<32xbf16> -> vector<16xf32>
      %add3A_820 = arith.addf %add3A_727, %unpack3A_818 : vector<16xf32>
      %add3A_821 = arith.addf %add3A_728, %unpack3A_819 : vector<16xf32>
      %get3A_822 = arith.constant 6 : i32
      %get3A_823 = arith.index_cast %get3A_822 : i32 to index
      %get3A_824 = arith.constant 96 : index
      %get3A_825 = tpu.vector_load %arg7[%get3A_823, %get3A_824] {strides = array<i32>} : memref<8x128xi32, #tpu.memory_space<vmem>>, vector<16xi32>,
      %bitcast3A_826 = vector.bitcast %get3A_825 : vector<16xi32> to vector<32xbf16>
      %unpack3A_827 = tpu.unpack_subelements %bitcast3A_826, 0 {pack_format = #tpu.pack_format<interleaved>} : vector<32xbf16> -> vector<16xf32>
      %unpack3A_828 = tpu.unpack_subelements %bitcast3A_826, 1 {pack_format = #tpu.pack_format<interleaved>} : vector<32xbf16> -> vector<16xf32>
      %add3A_829 = arith.addf %add3A_736, %unpack3A_827 : vector<16xf32>
      %add3A_830 = arith.addf %add3A_737, %unpack3A_828 : vector<16xf32>
      %get3A_831 = arith.constant 6 : i32
      %get3A_832 = arith.index_cast %get3A_831 : i32 to index
      %get3A_833 = arith.constant 112 : index
      %get3A_834 = tpu.vector_load %arg7[%get3A_832, %get3A_833] {strides = array<i32>} : memref<8x128xi32, #tpu.memory_space<vmem>>, vector<16xi32>,
      %bitcast3A_835 = vector.bitcast %get3A_834 : vector<16xi32> to vector<32xbf16>
      %unpack3A_836 = tpu.unpack_subelements %bitcast3A_835, 0 {pack_format = #tpu.pack_format<interleaved>} : vector<32xbf16> -> vector<16xf32>
      %unpack3A_837 = tpu.unpack_subelements %bitcast3A_835, 1 {pack_format = #tpu.pack_format<interleaved>} : vector<32xbf16> -> vector<16xf32>
      %add3A_838 = arith.addf %add3A_745, %unpack3A_836 : vector<16xf32>
      %add3A_839 = arith.addf %add3A_746, %unpack3A_837 : vector<16xf32>
      %add3A_840 = arith.constant 8 : i32
      %add3A_841 = arith.addi %add3A_757, %add3A_840 : i32
      %lt3A_842 = arith.constant 200 : i32
      %lt3A_843 = arith.cmpi slt, %add3A_841, %lt3A_842 : i32
      %convert_element_type3A_844 = arith.extui %lt3A_843 : i1 to i32
      %cond3A_845 = arith.constant 0 : i32
      %cond3A_846 = arith.cmpi ne, %convert_element_type3A_844, %cond3A_845 : i32
      scf.if %cond3A_846 {
        %dma_start3A_940 = arith.constant 6 : i32
        %dma_start3A_941 = arith.constant 0 : i32
        %dma_start3A_942 = tpu.memref_slice %arg7[%dma_start3A_940, %dma_start3A_941] : memref<8x128xi32, #tpu.memory_space<vmem>> -> memref<1x128xi32, #tpu.memory_space<vmem>>
        %dma_start3A_943 = tpu.memref_squeeze %dma_start3A_942 : memref<1x128xi32, #tpu.memory_space<vmem>> -> memref<128xi32, #tpu.memory_space<vmem>>
        %dma_start3A_944 = arith.constant 0 : i32
        %dma_start3A_945 = tpu.memref_slice %arg6[%add3A_841, %dma_start3A_944] : memref<200x128xi32, #tpu.memory_space<vmem>> -> memref<1x128xi32, #tpu.memory_space<vmem>>
        %dma_start3A_946 = tpu.memref_squeeze %dma_start3A_945 : memref<1x128xi32, #tpu.memory_space<vmem>> -> memref<128xi32, #tpu.memory_space<vmem>>
        %dma_start3A_947 = arith.constant 0 : i32
        %dma_start3A_948 = tpu.memref_slice %arg10[%dma_start3A_947] : memref<1015808xi32, #tpu.memory_space<vmem_shared>> -> memref<1015808xi32, #tpu.memory_space<vmem_shared>>
        tpu.enqueue_indirect_dma source(%dma_start3A_948 : memref<1015808xi32, #tpu.memory_space<vmem_shared>>) target(%dma_start3A_943 : memref<128xi32, #tpu.memory_space<vmem>>) offsets(%dma_start3A_946 : memref<128xi32, #tpu.memory_space<vmem>>) semaphore(%arg17 : memref<!tpu.dma_semaphore, #tpu.memory_space<semaphore_mem>>)
      } else {
      }
      %mul3A_847 = arith.constant 8 : i32
      %mul3A_848 = arith.muli %mul3A_847, %scan3A_185 : i32
      %add3A_849 = arith.constant 7 : i32
      %add3A_850 = arith.addi %mul3A_848, %add3A_849 : i32
      %dma_wait3A_851 = arith.constant 0 : i32
      %dma_wait3A_852 = arith.constant 7 : i32
      %dma_wait3A_853 = arith.constant 0 : i32
      %dma_wait3A_854 = tpu.memref_slice %arg7[%dma_wait3A_852, %dma_wait3A_853] : memref<8x128xi32, #tpu.memory_space<vmem>> -> memref<1x128xi32, #tpu.memory_space<vmem>>
      %dma_wait3A_855 = tpu.memref_squeeze %dma_wait3A_854 : memref<1x128xi32, #tpu.memory_space<vmem>> -> memref<128xi32, #tpu.memory_space<vmem>>
      %dma_wait3A_856 = arith.constant 0 : i32
      %dma_wait3A_857 = tpu.memref_slice %arg6[%dma_wait3A_851, %dma_wait3A_856] : memref<200x128xi32, #tpu.memory_space<vmem>> -> memref<1x128xi32, #tpu.memory_space<vmem>>
      %dma_wait3A_858 = tpu.memref_squeeze %dma_wait3A_857 : memref<1x128xi32, #tpu.memory_space<vmem>> -> memref<128xi32, #tpu.memory_space<vmem>>
      %dma_wait3A_859 = arith.constant 0 : i32
      %dma_wait3A_860 = tpu.memref_slice %arg10[%dma_wait3A_859] : memref<1015808xi32, #tpu.memory_space<vmem_shared>> -> memref<1015808xi32, #tpu.memory_space<vmem_shared>>
      tpu.wait_indirect_dma semaphore(%arg18 : memref<!tpu.dma_semaphore, #tpu.memory_space<semaphore_mem>>) src(%dma_wait3A_860 : memref<1015808xi32, #tpu.memory_space<vmem_shared>>) dst(%dma_wait3A_855 : memref<128xi32, #tpu.memory_space<vmem>>)
      %get3A_861 = arith.constant 7 : i32
      %get3A_862 = arith.index_cast %get3A_861 : i32 to index
      %get3A_863 = arith.constant 0 : index
      %get3A_864 = tpu.vector_load %arg7[%get3A_862, %get3A_863] {strides = array<i32>} : memref<8x128xi32, #tpu.memory_space<vmem>>, vector<16xi32>,
      %bitcast3A_865 = vector.bitcast %get3A_864 : vector<16xi32> to vector<32xbf16>
      %unpack3A_866 = tpu.unpack_subelements %bitcast3A_865, 0 {pack_format = #tpu.pack_format<interleaved>} : vector<32xbf16> -> vector<16xf32>
      %unpack3A_867 = tpu.unpack_subelements %bitcast3A_865, 1 {pack_format = #tpu.pack_format<interleaved>} : vector<32xbf16> -> vector<16xf32>
      %add3A_868 = arith.addf %add3A_775, %unpack3A_866 : vector<16xf32>
      %add3A_869 = arith.addf %add3A_776, %unpack3A_867 : vector<16xf32>
      %get3A_870 = arith.constant 7 : i32
      %get3A_871 = arith.index_cast %get3A_870 : i32 to index
      %get3A_872 = arith.constant 16 : index
      %get3A_873 = tpu.vector_load %arg7[%get3A_871, %get3A_872] {strides = array<i32>} : memref<8x128xi32, #tpu.memory_space<vmem>>, vector<16xi32>,
      %bitcast3A_874 = vector.bitcast %get3A_873 : vector<16xi32> to vector<32xbf16>
      %unpack3A_875 = tpu.unpack_subelements %bitcast3A_874, 0 {pack_format = #tpu.pack_format<interleaved>} : vector<32xbf16> -> vector<16xf32>
      %unpack3A_876 = tpu.unpack_subelements %bitcast3A_874, 1 {pack_format = #tpu.pack_format<interleaved>} : vector<32xbf16> -> vector<16xf32>
      %add3A_877 = arith.addf %add3A_784, %unpack3A_875 : vector<16xf32>
      %add3A_878 = arith.addf %add3A_785, %unpack3A_876 : vector<16xf32>
      %get3A_879 = arith.constant 7 : i32
      %get3A_880 = arith.index_cast %get3A_879 : i32 to index
      %get3A_881 = arith.constant 32 : index
      %get3A_882 = tpu.vector_load %arg7[%get3A_880, %get3A_881] {strides = array<i32>} : memref<8x128xi32, #tpu.memory_space<vmem>>, vector<16xi32>,
      %bitcast3A_883 = vector.bitcast %get3A_882 : vector<16xi32> to vector<32xbf16>
      %unpack3A_884 = tpu.unpack_subelements %bitcast3A_883, 0 {pack_format = #tpu.pack_format<interleaved>} : vector<32xbf16> -> vector<16xf32>
      %unpack3A_885 = tpu.unpack_subelements %bitcast3A_883, 1 {pack_format = #tpu.pack_format<interleaved>} : vector<32xbf16> -> vector<16xf32>
      %add3A_886 = arith.addf %add3A_793, %unpack3A_884 : vector<16xf32>
      %add3A_887 = arith.addf %add3A_794, %unpack3A_885 : vector<16xf32>
      %get3A_888 = arith.constant 7 : i32
      %get3A_889 = arith.index_cast %get3A_888 : i32 to index
      %get3A_890 = arith.constant 48 : index
      %get3A_891 = tpu.vector_load %arg7[%get3A_889, %get3A_890] {strides = array<i32>} : memref<8x128xi32, #tpu.memory_space<vmem>>, vector<16xi32>,
      %bitcast3A_892 = vector.bitcast %get3A_891 : vector<16xi32> to vector<32xbf16>
      %unpack3A_893 = tpu.unpack_subelements %bitcast3A_892, 0 {pack_format = #tpu.pack_format<interleaved>} : vector<32xbf16> -> vector<16xf32>
      %unpack3A_894 = tpu.unpack_subelements %bitcast3A_892, 1 {pack_format = #tpu.pack_format<interleaved>} : vector<32xbf16> -> vector<16xf32>
      %add3A_895 = arith.addf %add3A_802, %unpack3A_893 : vector<16xf32>
      %add3A_896 = arith.addf %add3A_803, %unpack3A_894 : vector<16xf32>
      %get3A_897 = arith.constant 7 : i32
      %get3A_898 = arith.index_cast %get3A_897 : i32 to index
      %get3A_899 = arith.constant 64 : index
      %get3A_900 = tpu.vector_load %arg7[%get3A_898, %get3A_899] {strides = array<i32>} : memref<8x128xi32, #tpu.memory_space<vmem>>, vector<16xi32>,
      %bitcast3A_901 = vector.bitcast %get3A_900 : vector<16xi32> to vector<32xbf16>
      %unpack3A_902 = tpu.unpack_subelements %bitcast3A_901, 0 {pack_format = #tpu.pack_format<interleaved>} : vector<32xbf16> -> vector<16xf32>
      %unpack3A_903 = tpu.unpack_subelements %bitcast3A_901, 1 {pack_format = #tpu.pack_format<interleaved>} : vector<32xbf16> -> vector<16xf32>
      %add3A_904 = arith.addf %add3A_811, %unpack3A_902 : vector<16xf32>
      %add3A_905 = arith.addf %add3A_812, %unpack3A_903 : vector<16xf32>
      %get3A_906 = arith.constant 7 : i32
      %get3A_907 = arith.index_cast %get3A_906 : i32 to index
      %get3A_908 = arith.constant 80 : index
      %get3A_909 = tpu.vector_load %arg7[%get3A_907, %get3A_908] {strides = array<i32>} : memref<8x128xi32, #tpu.memory_space<vmem>>, vector<16xi32>,
      %bitcast3A_910 = vector.bitcast %get3A_909 : vector<16xi32> to vector<32xbf16>
      %unpack3A_911 = tpu.unpack_subelements %bitcast3A_910, 0 {pack_format = #tpu.pack_format<interleaved>} : vector<32xbf16> -> vector<16xf32>
      %unpack3A_912 = tpu.unpack_subelements %bitcast3A_910, 1 {pack_format = #tpu.pack_format<interleaved>} : vector<32xbf16> -> vector<16xf32>
      %add3A_913 = arith.addf %add3A_820, %unpack3A_911 : vector<16xf32>
      %add3A_914 = arith.addf %add3A_821, %unpack3A_912 : vector<16xf32>
      %get3A_915 = arith.constant 7 : i32
      %get3A_916 = arith.index_cast %get3A_915 : i32 to index
      %get3A_917 = arith.constant 96 : index
      %get3A_918 = tpu.vector_load %arg7[%get3A_916, %get3A_917] {strides = array<i32>} : memref<8x128xi32, #tpu.memory_space<vmem>>, vector<16xi32>,
      %bitcast3A_919 = vector.bitcast %get3A_918 : vector<16xi32> to vector<32xbf16>
      %unpack3A_920 = tpu.unpack_subelements %bitcast3A_919, 0 {pack_format = #tpu.pack_format<interleaved>} : vector<32xbf16> -> vector<16xf32>
      %unpack3A_921 = tpu.unpack_subelements %bitcast3A_919, 1 {pack_format = #tpu.pack_format<interleaved>} : vector<32xbf16> -> vector<16xf32>
      %add3A_922 = arith.addf %add3A_829, %unpack3A_920 : vector<16xf32>
      %add3A_923 = arith.addf %add3A_830, %unpack3A_921 : vector<16xf32>
      %get3A_924 = arith.constant 7 : i32
      %get3A_925 = arith.index_cast %get3A_924 : i32 to index
      %get3A_926 = arith.constant 112 : index
      %get3A_927 = tpu.vector_load %arg7[%get3A_925, %get3A_926] {strides = array<i32>} : memref<8x128xi32, #tpu.memory_space<vmem>>, vector<16xi32>,
      %bitcast3A_928 = vector.bitcast %get3A_927 : vector<16xi32> to vector<32xbf16>
      %unpack3A_929 = tpu.unpack_subelements %bitcast3A_928, 0 {pack_format = #tpu.pack_format<interleaved>} : vector<32xbf16> -> vector<16xf32>
      %unpack3A_930 = tpu.unpack_subelements %bitcast3A_928, 1 {pack_format = #tpu.pack_format<interleaved>} : vector<32xbf16> -> vector<16xf32>
      %add3A_931 = arith.addf %add3A_838, %unpack3A_929 : vector<16xf32>
      %add3A_932 = arith.addf %add3A_839, %unpack3A_930 : vector<16xf32>
      %add3A_933 = arith.constant 8 : i32
      %add3A_934 = arith.addi %add3A_850, %add3A_933 : i32
      %lt3A_935 = arith.constant 200 : i32
      %lt3A_936 = arith.cmpi slt, %add3A_934, %lt3A_935 : i32
      %convert_element_type3A_937 = arith.extui %lt3A_936 : i1 to i32
      %cond3A_938 = arith.constant 0 : i32
      %cond3A_939 = arith.cmpi ne, %convert_element_type3A_937, %cond3A_938 : i32
      scf.if %cond3A_939 {
        %dma_start3A_940 = arith.constant 7 : i32
        %dma_start3A_941 = arith.constant 0 : i32
        %dma_start3A_942 = tpu.memref_slice %arg7[%dma_start3A_940, %dma_start3A_941] : memref<8x128xi32, #tpu.memory_space<vmem>> -> memref<1x128xi32, #tpu.memory_space<vmem>>
        %dma_start3A_943 = tpu.memref_squeeze %dma_start3A_942 : memref<1x128xi32, #tpu.memory_space<vmem>> -> memref<128xi32, #tpu.memory_space<vmem>>
        %dma_start3A_944 = arith.constant 0 : i32
        %dma_start3A_945 = tpu.memref_slice %arg6[%add3A_934, %dma_start3A_944] : memref<200x128xi32, #tpu.memory_space<vmem>> -> memref<1x128xi32, #tpu.memory_space<vmem>>
        %dma_start3A_946 = tpu.memref_squeeze %dma_start3A_945 : memref<1x128xi32, #tpu.memory_space<vmem>> -> memref<128xi32, #tpu.memory_space<vmem>>
        %dma_start3A_947 = arith.constant 0 : i32
        %dma_start3A_948 = tpu.memref_slice %arg10[%dma_start3A_947] : memref<1015808xi32, #tpu.memory_space<vmem_shared>> -> memref<1015808xi32, #tpu.memory_space<vmem_shared>>
        tpu.enqueue_indirect_dma source(%dma_start3A_948 : memref<1015808xi32, #tpu.memory_space<vmem_shared>>) target(%dma_start3A_943 : memref<128xi32, #tpu.memory_space<vmem>>) offsets(%dma_start3A_946 : memref<128xi32, #tpu.memory_space<vmem>>) semaphore(%arg18 : memref<!tpu.dma_semaphore, #tpu.memory_space<semaphore_mem>>)
      } else {
      }
      scf.yield %add3A_868, %add3A_869, %add3A_877, %add3A_878, %add3A_886, %add3A_887, %add3A_895, %add3A_896, %add3A_904, %add3A_905, %add3A_913, %add3A_914, %add3A_922, %add3A_923, %add3A_931, %add3A_932 : vector<16xf32>, vector<16xf32>, vector<16xf32>, vector<16xf32>, vector<16xf32>, vector<16xf32>, vector<16xf32>, vector<16xf32>, vector<16xf32>, vector<16xf32>, vector<16xf32>, vector<16xf32>, vector<16xf32>, vector<16xf32>, vector<16xf32>, vector<16xf32>
    }
    %scan3A_91 = arith.constant 25 : i32
    %iota3A = tpu.iota {dimensions = array<i32: 0>} : vector<16xi32>
    %get3A = arith.constant 0 : index
    %get3A_92 = tpu.vector_load %arg8[%get3A] {strides = array<i32>} : memref<32xf32, #tpu.memory_space<vmem>>, vector<16xf32>,
    %get3A_93 = arith.constant 16 : index
    %get3A_94 = tpu.vector_load %arg8[%get3A_93] {strides = array<i32>} : memref<32xf32, #tpu.memory_space<vmem>>, vector<16xf32>,
    %add3A_95 = arith.constant 0 : i32
    %add3A_96 = vector.broadcast %add3A_95 : i32 to vector<16xi32>
    %add3A_97 = arith.addi %iota3A, %add3A_96 : vector<16xi32>
    %mul3A_98 = arith.constant 2 : i32
    %mul3A_99 = vector.broadcast %mul3A_98 : i32 to vector<16xi32>
    %mul3A_100 = arith.muli %add3A_97, %mul3A_99 : vector<16xi32>
    %add3A_101 = arith.addf %scan3A_90#0, %get3A_92 : vector<16xf32>
    tpu.vector_store_idx %arg9[%mul3A_100], %add3A_101 : memref<256xf32, #tpu.memory_space<vmem>>[vector<16xi32>], vector<16xf32>,
    %add3A_102 = arith.constant 1 : i32
    %add3A_103 = vector.broadcast %add3A_102 : i32 to vector<16xi32>
    %add3A_104 = arith.addi %mul3A_100, %add3A_103 : vector<16xi32>
    %add3A_105 = arith.addf %scan3A_90#1, %get3A_94 : vector<16xf32>
    tpu.vector_store_idx %arg9[%add3A_104], %add3A_105 : memref<256xf32, #tpu.memory_space<vmem>>[vector<16xi32>], vector<16xf32>,
    %add3A_106 = arith.constant 16 : i32
    %add3A_107 = vector.broadcast %add3A_106 : i32 to vector<16xi32>
    %add3A_108 = arith.addi %iota3A, %add3A_107 : vector<16xi32>
    %mul3A_109 = arith.constant 2 : i32
    %mul3A_110 = vector.broadcast %mul3A_109 : i32 to vector<16xi32>
    %mul3A_111 = arith.muli %add3A_108, %mul3A_110 : vector<16xi32>
    %add3A_112 = arith.addf %scan3A_90#2, %get3A_92 : vector<16xf32>
    tpu.vector_store_idx %arg9[%mul3A_111], %add3A_112 : memref<256xf32, #tpu.memory_space<vmem>>[vector<16xi32>], vector<16xf32>,
    %add3A_113 = arith.constant 1 : i32
    %add3A_114 = vector.broadcast %add3A_113 : i32 to vector<16xi32>
    %add3A_115 = arith.addi %mul3A_111, %add3A_114 : vector<16xi32>
    %add3A_116 = arith.addf %scan3A_90#3, %get3A_94 : vector<16xf32>
    tpu.vector_store_idx %arg9[%add3A_115], %add3A_116 : memref<256xf32, #tpu.memory_space<vmem>>[vector<16xi32>], vector<16xf32>,
    %add3A_117 = arith.constant 32 : i32
    %add3A_118 = vector.broadcast %add3A_117 : i32 to vector<16xi32>
    %add3A_119 = arith.addi %iota3A, %add3A_118 : vector<16xi32>
    %mul3A_120 = arith.constant 2 : i32
    %mul3A_121 = vector.broadcast %mul3A_120 : i32 to vector<16xi32>
    %mul3A_122 = arith.muli %add3A_119, %mul3A_121 : vector<16xi32>
    %add3A_123 = arith.addf %scan3A_90#4, %get3A_92 : vector<16xf32>
    tpu.vector_store_idx %arg9[%mul3A_122], %add3A_123 : memref<256xf32, #tpu.memory_space<vmem>>[vector<16xi32>], vector<16xf32>,
    %add3A_124 = arith.constant 1 : i32
    %add3A_125 = vector.broadcast %add3A_124 : i32 to vector<16xi32>
    %add3A_126 = arith.addi %mul3A_122, %add3A_125 : vector<16xi32>
    %add3A_127 = arith.addf %scan3A_90#5, %get3A_94 : vector<16xf32>
    tpu.vector_store_idx %arg9[%add3A_126], %add3A_127 : memref<256xf32, #tpu.memory_space<vmem>>[vector<16xi32>], vector<16xf32>,
    %add3A_128 = arith.constant 48 : i32
    %add3A_129 = vector.broadcast %add3A_128 : i32 to vector<16xi32>
    %add3A_130 = arith.addi %iota3A, %add3A_129 : vector<16xi32>
    %mul3A_131 = arith.constant 2 : i32
    %mul3A_132 = vector.broadcast %mul3A_131 : i32 to vector<16xi32>
    %mul3A_133 = arith.muli %add3A_130, %mul3A_132 : vector<16xi32>
    %add3A_134 = arith.addf %scan3A_90#6, %get3A_92 : vector<16xf32>
    tpu.vector_store_idx %arg9[%mul3A_133], %add3A_134 : memref<256xf32, #tpu.memory_space<vmem>>[vector<16xi32>], vector<16xf32>,
    %add3A_135 = arith.constant 1 : i32
    %add3A_136 = vector.broadcast %add3A_135 : i32 to vector<16xi32>
    %add3A_137 = arith.addi %mul3A_133, %add3A_136 : vector<16xi32>
    %add3A_138 = arith.addf %scan3A_90#7, %get3A_94 : vector<16xf32>
    tpu.vector_store_idx %arg9[%add3A_137], %add3A_138 : memref<256xf32, #tpu.memory_space<vmem>>[vector<16xi32>], vector<16xf32>,
    %add3A_139 = arith.constant 64 : i32
    %add3A_140 = vector.broadcast %add3A_139 : i32 to vector<16xi32>
    %add3A_141 = arith.addi %iota3A, %add3A_140 : vector<16xi32>
    %mul3A_142 = arith.constant 2 : i32
    %mul3A_143 = vector.broadcast %mul3A_142 : i32 to vector<16xi32>
    %mul3A_144 = arith.muli %add3A_141, %mul3A_143 : vector<16xi32>
    %add3A_145 = arith.addf %scan3A_90#8, %get3A_92 : vector<16xf32>
    tpu.vector_store_idx %arg9[%mul3A_144], %add3A_145 : memref<256xf32, #tpu.memory_space<vmem>>[vector<16xi32>], vector<16xf32>,
    %add3A_146 = arith.constant 1 : i32
    %add3A_147 = vector.broadcast %add3A_146 : i32 to vector<16xi32>
    %add3A_148 = arith.addi %mul3A_144, %add3A_147 : vector<16xi32>
    %add3A_149 = arith.addf %scan3A_90#9, %get3A_94 : vector<16xf32>
    tpu.vector_store_idx %arg9[%add3A_148], %add3A_149 : memref<256xf32, #tpu.memory_space<vmem>>[vector<16xi32>], vector<16xf32>,
    %add3A_150 = arith.constant 80 : i32
    %add3A_151 = vector.broadcast %add3A_150 : i32 to vector<16xi32>
    %add3A_152 = arith.addi %iota3A, %add3A_151 : vector<16xi32>
    %mul3A_153 = arith.constant 2 : i32
    %mul3A_154 = vector.broadcast %mul3A_153 : i32 to vector<16xi32>
    %mul3A_155 = arith.muli %add3A_152, %mul3A_154 : vector<16xi32>
    %add3A_156 = arith.addf %scan3A_90#10, %get3A_92 : vector<16xf32>
    tpu.vector_store_idx %arg9[%mul3A_155], %add3A_156 : memref<256xf32, #tpu.memory_space<vmem>>[vector<16xi32>], vector<16xf32>,
    %add3A_157 = arith.constant 1 : i32
    %add3A_158 = vector.broadcast %add3A_157 : i32 to vector<16xi32>
    %add3A_159 = arith.addi %mul3A_155, %add3A_158 : vector<16xi32>
    %add3A_160 = arith.addf %scan3A_90#11, %get3A_94 : vector<16xf32>
    tpu.vector_store_idx %arg9[%add3A_159], %add3A_160 : memref<256xf32, #tpu.memory_space<vmem>>[vector<16xi32>], vector<16xf32>,
    %add3A_161 = arith.constant 96 : i32
    %add3A_162 = vector.broadcast %add3A_161 : i32 to vector<16xi32>
    %add3A_163 = arith.addi %iota3A, %add3A_162 : vector<16xi32>
    %mul3A_164 = arith.constant 2 : i32
    %mul3A_165 = vector.broadcast %mul3A_164 : i32 to vector<16xi32>
    %mul3A_166 = arith.muli %add3A_163, %mul3A_165 : vector<16xi32>
    %add3A_167 = arith.addf %scan3A_90#12, %get3A_92 : vector<16xf32>
    tpu.vector_store_idx %arg9[%mul3A_166], %add3A_167 : memref<256xf32, #tpu.memory_space<vmem>>[vector<16xi32>], vector<16xf32>,
    %add3A_168 = arith.constant 1 : i32
    %add3A_169 = vector.broadcast %add3A_168 : i32 to vector<16xi32>
    %add3A_170 = arith.addi %mul3A_166, %add3A_169 : vector<16xi32>
    %add3A_171 = arith.addf %scan3A_90#13, %get3A_94 : vector<16xf32>
    tpu.vector_store_idx %arg9[%add3A_170], %add3A_171 : memref<256xf32, #tpu.memory_space<vmem>>[vector<16xi32>], vector<16xf32>,
    %add3A_172 = arith.constant 112 : i32
    %add3A_173 = vector.broadcast %add3A_172 : i32 to vector<16xi32>
    %add3A_174 = arith.addi %iota3A, %add3A_173 : vector<16xi32>
    %mul3A_175 = arith.constant 2 : i32
    %mul3A_176 = vector.broadcast %mul3A_175 : i32 to vector<16xi32>
    %mul3A_177 = arith.muli %add3A_174, %mul3A_176 : vector<16xi32>
    %add3A_178 = arith.addf %scan3A_90#14, %get3A_92 : vector<16xf32>
    tpu.vector_store_idx %arg9[%mul3A_177], %add3A_178 : memref<256xf32, #tpu.memory_space<vmem>>[vector<16xi32>], vector<16xf32>,
    %add3A_179 = arith.constant 1 : i32
    %add3A_180 = vector.broadcast %add3A_179 : i32 to vector<16xi32>
    %add3A_181 = arith.addi %mul3A_177, %add3A_180 : vector<16xi32>
    %add3A_182 = arith.addf %scan3A_90#15, %get3A_94 : vector<16xf32>
    tpu.vector_store_idx %arg9[%add3A_181], %add3A_182 : memref<256xf32, #tpu.memory_space<vmem>>[vector<16xi32>], vector<16xf32>,
    %mul3A_183 = arith.constant 2 : i32
    %mul3A_184 = arith.muli %mul3A_183, %mul3A_2 : i32
    "tpu.region"() ({
      %run_scoped3A = tpu.sem_alloc : memref<!tpu.dma_semaphore, #tpu.memory_space<semaphore_mem>>
      %dma_start3A_185 = tpu.memref_slice %arg5[%mul3A_184] : memref<8192xf32, #tpu.memory_space<hbm>> -> memref<256xf32, #tpu.memory_space<hbm>>
      %dma_start3A_186 = tpu.memref_slice %arg5[%mul3A_184] : memref<8192xf32, #tpu.memory_space<hbm>> -> memref<256xf32, #tpu.memory_space<hbm>>
      tpu.enqueue_dma source(%arg9 : memref<256xf32, #tpu.memory_space<vmem>>) target(%dma_start3A_186 : memref<256xf32, #tpu.memory_space<hbm>>) target_semaphore(%run_scoped3A : memref<!tpu.dma_semaphore, #tpu.memory_space<semaphore_mem>>)
      %dma_wait3A = tpu.memref_slice %arg5[%mul3A_184] : memref<8192xf32, #tpu.memory_space<hbm>> -> memref<256xf32, #tpu.memory_space<hbm>>
      %dma_wait3A_187 = tpu.memref_slice %arg5[%mul3A_184] : memref<8192xf32, #tpu.memory_space<hbm>> -> memref<256xf32, #tpu.memory_space<hbm>>
      tpu.wait_dma2 semaphore(%run_scoped3A : memref<!tpu.dma_semaphore, #tpu.memory_space<semaphore_mem>>) src(%arg9 : memref<256xf32, #tpu.memory_space<vmem>>) dst(%dma_wait3A_187 : memref<256xf32, #tpu.memory_space<hbm>>)
      tpu.yield
    }) : () -> ()
    return
  }
}

module attributes {stable_mosaic.version = 14 : i64} {
  func.func @_proj_body(%arg0: i32, %arg1: memref<2x64xf32, #tpu.memory_space<vmem>>, %arg2: memref<64x32768xf32, #tpu.memory_space<vmem>>, %arg3: memref<32768xi32, #tpu.memory_space<vmem>>) attributes {dimension_semantics = [#tpu.dimension_semantics<arbitrary>], iteration_bounds = array<i64: 31>, scalar_prefetch = 0 : i64, scratch_operands = 0 : i64, tpu.core_type = #tpu.core_type<tc>, window_params = [{pipeline_mode = #tpu.pipeline_mode<synchronous>, transform_indices = @transform_0, window_bounds = array<i64: 2, 64>}, {transform_indices = @transform_1, window_bounds = array<i64: 64, 32768>}, {transform_indices = @transform_2, window_bounds = array<i64: 32768>}]} {
    %get3A = arith.constant 0 : index
    %get3A_0 = arith.constant 0 : index
    %get3A_1 = vector.load %arg1[%get3A, %get3A_0] : memref<2x64xf32, #tpu.memory_space<vmem>>, vector<2x64xf32>
    %get3A_2 = arith.constant 0 : index
    %get3A_3 = arith.constant 0 : index
    %get3A_4 = vector.load %arg2[%get3A_2, %get3A_3] : memref<64x32768xf32, #tpu.memory_space<vmem>>, vector<64x32768xf32>
    %dot_general3A = arith.constant dense<0.000000e+00> : vector<2x32768xf32>
    %dot_general3A_5 = tpu.matmul %get3A_1, %get3A_4, %dot_general3A {dimension_numbers = #tpu.dot_dimension_numbers<[1], [0], [0], [1], [0, 0, 1, 1], [], []>, transpose_lhs_hint = false} : vector<2x64xf32>, vector<64x32768xf32>, vector<2x32768xf32> -> vector<2x32768xf32>
    %mul3A = arith.constant 5.000000e-03 : f32
    %mul3A_6 = vector.broadcast %mul3A : f32 to vector<2x32768xf32>
    %mul3A_7 = arith.mulf %dot_general3A_5, %mul3A_6 : vector<2x32768xf32>
    %slice3A = vector.extract_strided_slice %mul3A_7 {offsets = [0, 0], sizes = [1, 32768], strides = [1, 1]} : vector<2x32768xf32> to vector<1x32768xf32>
    %squeeze3A = vector.shape_cast %slice3A : vector<1x32768xf32> to vector<32768xf32>
    %convert_element_type3A = arith.truncf %squeeze3A : vector<32768xf32> to vector<32768xbf16>
    %bitcast_convert_type3A = tpu.bitcast %convert_element_type3A : vector<32768xbf16> -> vector<32768xi16>
    %slice3A_8 = vector.extract_strided_slice %mul3A_7 {offsets = [1, 0], sizes = [1, 32768], strides = [1, 1]} : vector<2x32768xf32> to vector<1x32768xf32>
    %squeeze3A_9 = vector.shape_cast %slice3A_8 : vector<1x32768xf32> to vector<32768xf32>
    %convert_element_type3A_10 = arith.truncf %squeeze3A_9 : vector<32768xf32> to vector<32768xbf16>
    %bitcast_convert_type3A_11 = tpu.bitcast %convert_element_type3A_10 : vector<32768xbf16> -> vector<32768xi16>
    %convert_element_type3A_12 = arith.extui %bitcast_convert_type3A_11 : vector<32768xi16> to vector<32768xi32>
    %shift_left3A = arith.constant 16 : i32
    %shift_left3A_13 = vector.broadcast %shift_left3A : i32 to vector<32768xi32>
    %shift_left3A_14 = arith.shli %convert_element_type3A_12, %shift_left3A_13 : vector<32768xi32>
    %convert_element_type3A_15 = arith.extui %bitcast_convert_type3A : vector<32768xi16> to vector<32768xi32>
    %or3A = arith.ori %shift_left3A_14, %convert_element_type3A_15 : vector<32768xi32>
    %bitcast_convert_type3A_16 = tpu.bitcast %or3A : vector<32768xi32> -> vector<32768xi32>
    %swap3A = arith.constant 0 : index
    %swap3A_17 = vector.load %arg3[%swap3A] : memref<32768xi32, #tpu.memory_space<vmem>>, vector<32768xi32>
    tpu.vector_store %arg3[%swap3A], %bitcast_convert_type3A_16 {strides = array<i32>} : memref<32768xi32, #tpu.memory_space<vmem>>, vector<32768xi32>,
    return
  }
  func.func @transform_0(%arg0: i32) -> (i32, i32) {
    %c0_i32 = arith.constant 0 : i32
    %c0_i32_0 = arith.constant 0 : i32
    %c0_i32_1 = arith.constant 0 : i32
    return %c0_i32, %c0_i32_0 : i32, i32
  }
  func.func @transform_1(%arg0: i32) -> (i32, i32) {
    %c0_i32 = arith.constant 0 : i32
    %c0_i32_0 = arith.constant 0 : i32
    return %c0_i32, %arg0 : i32, i32
  }
  func.func @transform_2(%arg0: i32) -> i32 {
    %c0_i32 = arith.constant 0 : i32
    return %arg0 : i32
  }
}

</mosaic_0001>

<sc_bundles>
// kernel: kernel.4.cloned.1.call-start
scs
__scs_entry_jumppad:
0x0: {  	(pc) =	sbr.rel $0x88, $3  }
0x1: {  	(tag) =	ssettag $0x0;
	lr =	simm.s32 $0x1  }
0x2: {  	[smem:$0x3F9D] =	sst lr;
	_ =	strace $0xD0000000  }
0x3: {  	_ = 	snop  }
0x4: {  	_ = 	snop  }
0x5: {  	_ = 	snop  }
0x6: {  	_ = 	snop  }
0x7: {  	_ = 	snop  }
__scs_overlays_trampoline_lowered:
0x8: {  	[smem:$0x3FAC] =	sst s0  }
0x9: {  	[smem:$0x3FAD] =	sst s1  }
0xa: {  	[smem:$0x3FAE] =	sst s2  }
0xb: {  	[smem:$0x3FAF] =	sst s3  }
0xc: {  	[smem:$0x3FB0] =	sst s4  }
0xd: {  	[smem:$0x3FB1] =	sst s5  }
0xe: {  	[smem:$0x3FB2] =	sst s6  }
0xf: {  	[smem:$0x3FB3] =	sst s7  }
0x10: {  	[smem:$0x3FB4] =	sst s8  }
0x11: {  	[smem:$0x3FB5] =	sst s9;
	s0 =	simm.s32 @!p0 $0x0  }
0x12: {  	s1 =	sld [smem:$0x3F9B];
	s0 =	simm.s32 @p0 $0x1  }
0x13: {  	[smem:$0x3FB6] =	sst s0;
	s0 =	simm.s32 @!p1 $0x0  }
0x14: {  	s2 =	sld [smem:$0x3F9A];
	s0 =	simm.s32 @p1 $0x1  }
0x15: {  	[smem:$0x3FB7] =	sst s0;
	s0 =	simm.s32 @!p2 $0x0  }
0x16: {  	s3 =	sld [smem:$0x3FDB];
	s0 =	simm.s32 @p2 $0x1  }
0x17: {  	s4 =	simm.s32 $0x1BF5;
	[smem:$0x3FB9] =	sst s0  }
0x18: {  	s0 =	sld [smem:$0x3F9C];
	_ =	swait.ge [sflag:s4], $0x0  }
0x19: {  	s7 =	sld [smem:$0x3F9D]  }
0x1a: {  	s8 =	sadd.s32 $0xFFFFE003, lr  }
0x1b: {  	s9 =	sadd.s32 $0xFFFFFEF7, lr;
	s5 =	simm.s32 $0xFFFFFFFF;
	p2 =	slt.u32 s8, $0xFFFFF086  }
0x1c: {  	p1 =	slt.u32 s9, $0xF7A;
	s5 =	simm.s32 @!p2 $0x0  }
0x1d: {  	s5 =	simm.s32 @p1 $0x1;
	p0 =	seq.s32 s7, s2  }
0x1e: {  	s7 =	smul.u32 @!p0 $0xF7A, s2;
	p2 =	seq.s32 @!p0 s5, $0x0  }
0x1f: {  	s9 =	smul.u32 $0xF7A, s1;
	s8 =	simm.s32 @!p0 $0x1BF5;
	p2 =	por !p2, p0  }
0x20: {  	[sflag:s8] =	ssyncset.s32 @!p0 $0xFFFFF086;
	s6 =	sadd.s32 @!p0 s3, s7;
	s7 =	simm.s32 @!p0 $0x108  }
0x21: {  	s3 =	sadd.s32 s3, s9;
	s6 =	sadd.s32 @!p0 $0x88, s6;
	s7 =	simm.s32 @p2 $0x1082  }
0x22: {  	[simem:s7], [sflag:s8] =	dma.local @!p0 [hbm:s6], $0xF7A  }
0x23: {  	s9 =	sor.u32 $0xD0000000, s2;
	s6 =	simm.s32 $0x108;
	_ =	swait.ge @!p0 [sflag:s8], $0x0  }
0x24: {  	s3 =	sadd.s32 $0x88, s3;
	s6 =	simm.s32 @!p1 $0x1082;
	[sflag:s4] =	ssyncset.s32 $0xFFFFF086  }
0x25: {  	[simem:s6], [sflag:s4] =	dma.local [hbm:s3], $0xF7A  }
0x26: {  	[smem:$0x3F9D] =	sst s1;
	(tag) =	ssettag s2;
	_ =	strace s9  }
0x27: {  	s1 =	sld [smem:$0x3FAD]  }
0x28: {  	s2 =	sld [smem:$0x3FAE]  }
0x29: {  	s4 =	sld [smem:$0x3FB0]  }
0x2a: {  	p0 =	seq.s32 s5, $0x0;
	s5 =	sld [smem:$0x3FB1]  }
0x2b: {  	s6 =	sld [smem:$0x3FB2]  }
0x2c: {  	s7 =	sld [smem:$0x3FB3]  }
0x2d: {  	s3 =	simm.s32 $0x108;
	s8 =	sld [smem:$0x3FB4]  }
0x2e: {  	s3 =	simm.s32 @!p0 $0x1082;
	s9 =	sld [smem:$0x3FB5]  }
0x2f: {  	lr =	sadd.s32 s0, s3;
	s0 =	sld [smem:$0x3FAC]  }
0x30: {  	s3 =	sld [smem:$0x3FAF]  }
0x31: {  	[smem:$0x3FB8] =	sst s10  }
0x32: {  	s10 =	sld [smem:$0x3FB6];
	_ =	sdelay $0x3  }
0x33: {  	p0 =	seq.s32 s10, $0x1;
	s10 =	sld [smem:$0x3FB8];
	_ =	sdelay $0x3  }
0x34: {  	[smem:$0x3FB8] =	sst s10  }
0x35: {  	s10 =	sld [smem:$0x3FB7];
	_ =	sdelay $0x3  }
0x36: {  	p1 =	seq.s32 s10, $0x1;
	s10 =	sld [smem:$0x3FB8];
	_ =	sdelay $0x3  }
0x37: {  	[smem:$0x3FB8] =	sst s10  }
0x38: {  	s10 =	sld [smem:$0x3FB9]  }
0x39: {  	_ = 	snop;
	(pc) =	sbr.ind lr, $3  }
0x3a: {  	_ = 	snop  }
0x3b: {  	_ = 	snop  }
0x3c: {  	p2 =	seq.s32 s10, $0x1;
	s10 =	sld [smem:$0x3FB8]  }
0x3d: {  	_ =	shalt  }
0x3e: {  	_ =	shalt  }
0x3f: {  	_ =	shalt  }
0x40: {  	_ =	shalt  }
0x41: {  	_ =	shalt  }
0x42: {  	_ =	shalt  }
0x43: {  	_ =	shalt  }
0x44: {  	_ =	shalt  }
0x45: {  	_ =	shalt  }
0x46: {  	_ =	shalt  }
0x47: {  	_ =	shalt  }
0x48: {  	_ =	shalt  }
0x49: {  	_ =	shalt  }
0x4a: {  	_ =	shalt  }
0x4b: {  	_ =	shalt  }
0x4c: {  	_ =	shalt  }
0x4d: {  	_ =	shalt  }
0x4e: {  	_ =	shalt  }
0x4f: {  	_ =	shalt  }
0x50: {  	_ =	shalt  }
0x51: {  	_ =	shalt  }
0x52: {  	_ =	shalt  }
0x53: {  	_ =	shalt  }
0x54: {  	_ =	shalt  }
0x55: {  	_ =	shalt  }
0x56: {  	_ =	shalt  }
0x57: {  	_ =	shalt  }
0x58: {  	_ =	shalt  }
0x59: {  	_ =	shalt  }
0x5a: {  	_ =	shalt  }
0x5b: {  	_ =	shalt  }
0x5c: {  	_ =	shalt  }
0x5d: {  	_ =	shalt  }
0x5e: {  	_ =	shalt  }
0x5f: {  	_ =	shalt  }
0x60: {  	_ =	shalt  }
0x61: {  	_ =	shalt  }
0x62: {  	_ =	shalt  }
0x63: {  	_ =	shalt  }
0x64: {  	_ =	shalt  }
0x65: {  	_ =	shalt  }
0x66: {  	_ =	shalt  }
0x67: {  	_ =	shalt  }
0x68: {  	_ =	shalt  }
0x69: {  	_ =	shalt  }
0x6a: {  	_ =	shalt  }
0x6b: {  	_ =	shalt  }
0x6c: {  	_ =	shalt  }
0x6d: {  	_ =	shalt  }
0x6e: {  	_ =	shalt  }
0x6f: {  	_ =	shalt  }
0x70: {  	_ =	shalt  }
0x71: {  	_ =	shalt  }
0x72: {  	_ =	shalt  }
0x73: {  	_ =	shalt  }
0x74: {  	_ =	shalt  }
0x75: {  	_ =	shalt  }
0x76: {  	_ =	shalt  }
0x77: {  	_ =	shalt  }
0x78: {  	_ =	shalt  }
0x79: {  	_ =	shalt  }
0x7a: {  	_ =	shalt  }
0x7b: {  	_ =	shalt  }
0x7c: {  	_ =	shalt  }
0x7d: {  	_ =	shalt  }
0x7e: {  	_ =	shalt  }
0x7f: {  	_ =	shalt  }
0x80: {  	_ =	shalt  }
0x81: {  	_ =	shalt  }
0x82: {  	_ =	shalt  }
0x83: {  	_ =	shalt  }
0x84: {  	_ =	shalt  }
0x85: {  	_ =	shalt  }
0x86: {  	_ =	shalt  }
0x87: {  	_ =	shalt  }
.Lfunc_end0:
.L_simem_size_0:
called_computation_lowered:
.L_overlay_start_0:
0x88: {  	s2 =	sld [smem:$0x3FD9]  }
0x89: {  	s3 =	sld [smem:$0x3FFE];
	_ =	sdelay $0x1  }
0x8a: {  	s1 =	srdreg.scid  }
0x8b: {  	s0 =	sand.u32 $0x1, s1  }
0x8c: {  	s17 =	sshll.u32 s0, $0xA;
	s2 =	sadd.s32 s3, s2  }
0x8d: {  	s2 =	sadd.s32 s2, s17  }
0x8e: {  	[smem:$0x3FC4] =	sst s2  }
0x8f: {  	_ = 	snop  }
0x90: {  	s2 =	sld [smem:$0x3FD0];
	(tm) =	ssettm $0x1  }
0x91: {  	s18 =	sld [smem:$0x3FFB];
	_ =	sdelay $0x3  }
0x92: {  	_ =	strace s18  }
0x93: {  	s3 =	sld [smem:$0x3FFC];
	_ =	sdelay $0x3  }
0x94: {  	_ =	strace s3  }
0x95: {  	s3 =	sld [smem:$0x3FFD];
	_ =	sdelay $0x3  }
0x96: {  	_ =	strace s3  }
0x97: {  	_ =	strace $0x8FFFFFFF  }
0x98: {  	s19 =	sld [smem:$0x3FDB];
	_ =	sdelay $0x1  }
0x99: {  	s4 =	simm.s32 $_scs_section_size  }
0x9a: {  	s5 =	simm.s32 $_size__tile_overlayer_lowered;
	s6 =	simm.s32 $_tile_overlayer_lowered  }
0x9b: {  	s22 =	simm.s32 $0x1BFF;
	s21 =	sshll.u32 s6, $0x1;
	s3 =	sadd.s32 s4, s19  }
0x9c: {  	s7 =	simm.s32 $0x0;
	s20 =	sshll.u32 s5, $0x1;
	s5 =	sadd.s32 s21, s3  }
0x9d: {  	[timem:s7], [sflag:s22] =	dma.local [hbm:s5], s20  }
0x9e: {  	_ =	swait.ge [sflag:s22], s20  }
0x9f: {  	s4 =	ssub.s32 $0x0, s20;
	[sflag:s22] =	ssyncset.done $0x0  }
0xa0: {  	[sflag:s22] =	ssyncadd.s32 s4;
	_ =	sdelay $0x1  }
0xa1: {  	s23 =	simm.s32 $0x1B8B  }
0xa2: {  	_ =	swait.ge [sflag:s23], $0x1  }
0xa3: {  	[sflag:s23] =	ssyncset.done $0x0  }
0xa4: {  	s25 =	simm.s32 $0x1B8E;
	s24 =	sld [smem:$0x3FFE];
	[sflag:s23] =	ssyncadd.s32 $0xFFFFFFFF  }
0xa5: {  	s26 =	simm.s32 $execute0_lowered;
	[smem:$0x3FD2] =	sst s25  }
0xa6: {  	s5 =	sshll.u32 s26, $0x1;
	_ =	strace $0x80000046;
	[dreg:$0x1] =	wrdreg $0xFFFFFFFF  }
0xa7: {  	s28 =	simm.s32 $_size_execute0_lowered;
	s3 =	sadd.s32 s3, s5;
	[dreg:$0x0] =	wrdreg $0x0  }
0xa8: {  	s5 =	sshll.u32 s28, $0x1;
	[dreg:$0x2] =	wrdreg s3  }
0xa9: {  	[dreg:$0x3] =	wrdreg s5  }
0xaa: {  	[dreg:$0x4] =	wrdreg $0xC0  }
0xab: {  	_ =	task [dreg:s7], $0x5FFFF  }
0xac: {  	[dreg:$0x1] =	wrdreg $0xFFFFFFFF  }
0xad: {  	[dreg:$0x0] =	wrdreg $0x60  }
0xae: {  	[dreg:$0x2] =	wrdreg s24  }
0xaf: {  	[dreg:$0x3] =	wrdreg s2  }
0xb0: {  	[dreg:$0x4] =	wrdreg $0x69200  }
0xb1: {  	[dreg:$0x5] =	wrdreg $0x9  }
0xb2: {  	_ =	task.clear_ibuf [dreg:s7], $0x6FFFF;
	_ =	strace $0x90000046  }
0xb3: {  	s29 =	simm.s32 $0x9;
	_ =	strace $0x80000048  }
0xb4: {  	_ =	swait.ge [sflag:s29], $0x1  }
0xb5: {  	[sflag:s29] =	ssyncadd.s32 $0xFFFFFFFF  }
0xb6: {  	_ =	strace $0x90000048  }
0xb7: {  	_ =	sfence  }
0xb8: {  	s30 =	sld [smem:$0x0];
	_ =	sdelay $0x2  }
0xb9: {  	s31 =	sshll.u32 s1, $0xD;
	s1 =	sshrl.u32 s1, $0x2  }
0xba: {  	s3 =	sand.u32 $0x4000, s31;
	s1 =	sadd.s32 s1, s30  }
0xbb: {  	s0 =	sor.u32 s3, s0;
	s1 =	sshll.u32 s1, $0x11  }
0xbc: {  	s0 =	sor.u32 s1, s0  }
0xbd: {  	s0 =	sadd.s32 $0x8F2B, s0  }
0xbe: {  	[sflag:s0] =	ssyncadd.remote.s32 $0x1  }
0xbf: {  	_ =	sfence.sel $0xFFFF  }
0xc0: {  	[dreg:$0x0] =	wrdreg $0xFFFFFFFF;
	(pc) =	sbr.abs _section_cstart, $3  }
0xc1: {  	[dreg:$0x1] =	wrdreg $0xFFFFFFFF  }
0xc2: {  	_ =	task.clear_ibuf [dreg:s7], $0x2FFFF;
	_ =	strace $0x9FFFFFFF  }
0xc3: {  	(tm) =	ssettm $0x7FFFFFFF  }
tec
execute0_lowered:
.L_overlay_start_1:
0x0: {  	(tag) =	ssettag $0x1  }
0x1: {  	s0 =	rddreg [dreg:$0x0]  }
0x2: {  	s2 =	rddreg [dreg:$0x1]  }
0x3: {  	s1 =	rddreg [dreg:$0x2];
	s3 =	simm.s32 $0x0;
	s4 =	srdreg.scid  }
0x4: {  	s12 =	stileid.u32;
	s28 =	simm.s32 $0x380;
	s29 =	simm.s32 $0x6780  }
0x5: {  	s30 =	simm.s32 $0x1;
	s31 =	simm.s32 $0x2;
	s13 =	simm.s32 $0x5  }
0x6: {  	s14 =	simm.s32 $0x6;
	s15 =	simm.s32 $0x7;
	s16 =	simm.s32 $0x8  }
0x7: {  	s17 =	simm.s32 $0x6820;
	s18 =	simm.s32 $0x0;
	[smem:$0x7FF] =	sst s3  }
0x8: {  	s4 =	sand.u32 $0x1, s4;
	s5 =	sshll.u32 s12, $0x1;
	s6 =	smul.u32 $0xF800, s12  }
0x9: {  	s25 =	sshll.u32 s12, $0x6;
	s12 =	simm.s32 $0x80;
	_ =	strace $0x80000047  }
0xa: {  	s7 =	sor.u32 s4, s5;
	s9 =	ssub.s32 $0x2, s4;
	s4 =	sadd.s32 $0xA00, s0  }
0xb: {  	s5 =	sshll.u32 s7, $0x4;
	s8 =	sshrl.u32 s6, $0x3;
	s23 =	sshrl.u32 s9, $0x1  }
0xc: {  	s11 =	sadd.s32 s6, s1;
	s26 =	sshll.u32 s7, $0x5;
	s6 =	sor.u32 $0x1C09, s25  }
.Ltmp0:
0xd: {  	s25 =	simm.s32 $0x300;
	s10 =	sadd.s32 s5, s0;
	(pc) =	sbr.rel .LBB2_1-.Ltmp0, $4  }
0xe: {  	s22 =	sadd.s32 s8, s0;
	s24 =	ssub.s32 s9, s23;
	s8 =	sadd.s32 s2, s26  }
0xf: {  	s26 =	simm.s32 $0x6700;
	s0 =	simm.s32 $0x3;
	s2 =	simm.s32 $0x4  }
0x10: {  	v0 =	vlaneseq.u32;
	s5 =	sadd.s32 $0x19C00, s22;
	s7 =	sadd.s32 $0xC00, s10;
	s9 =	smax.u32 s24, $0x1  }
0x11: {  	v0 =	vmul.u32 $0x2, v0;
	s10 =	sshrl.u32 s11, $0x3;
	s11 =	simm.s32 $0x9;
	s24 =	simm.s32 $0x6680  }
.LBB2_4:
0x12: {  	v17 =	vld [tilespmem:$0x6800]  }
0x13: {  	v18 =	vld [tilespmem:$0x6810];
	_ =	sdelay $0x1  }
0x14: {  	v19 =	vor.u32 $0x1, v0  }
0x15: {  	v20 =	vor.u32 $0x20, v0  }
0x16: {  	v21 =	vor.u32 $0x21, v0;
	v16 =	vadd.f32 v17, v16  }
0x17: {  	v22 =	vor.u32 $0x40, v0;
	v15 =	vadd.f32 v18, v15  }
0x18: {  	v53 =	vor.u32 $0x41, v0;
	v14 =	vadd.f32 v17, v14;
	[tilespmem:v0+s17+$0x0] =	vst.idx.msk $0xffff, v16  }
0x19: {  	v54 =	vor.u32 $0x60, v0;
	v13 =	vadd.f32 v18, v13;
	[tilespmem:v19+s17+$0x0] =	vst.idx.msk $0xffff, v15  }
0x1a: {  	v55 =	vor.u32 $0x61, v0;
	v12 =	vadd.f32 v17, v12;
	[tilespmem:v20+s17+$0x0] =	vst.idx.msk $0xffff, v14  }
0x1b: {  	v56 =	vor.u32 $0x80, v0;
	v11 =	vadd.f32 v18, v11;
	[tilespmem:v21+s17+$0x0] =	vst.idx.msk $0xffff, v13  }
0x1c: {  	v57 =	vor.u32 $0x81, v0;
	v10 =	vadd.f32 v17, v10;
	[tilespmem:v22+s17+$0x0] =	vst.idx.msk $0xffff, v12  }
0x1d: {  	v58 =	vor.u32 $0xA0, v0;
	v9 =	vadd.f32 v18, v9;
	[tilespmem:v53+s17+$0x0] =	vst.idx.msk $0xffff, v11  }
0x1e: {  	v59 =	vor.u32 $0xA1, v0;
	v8 =	vadd.f32 v17, v8;
	[tilespmem:v54+s17+$0x0] =	vst.idx.msk $0xffff, v10  }
0x1f: {  	v60 =	vor.u32 $0xC0, v0;
	v7 =	vadd.f32 v18, v7;
	[tilespmem:v55+s17+$0x0] =	vst.idx.msk $0xffff, v9  }
0x20: {  	v61 =	vor.u32 $0xC1, v0;
	v6 =	vadd.f32 v17, v6;
	[tilespmem:v56+s17+$0x0] =	vst.idx.msk $0xffff, v8  }
0x21: {  	v62 =	vor.u32 $0xE0, v0;
	v5 =	vadd.f32 v18, v5;
	[tilespmem:v57+s17+$0x0] =	vst.idx.msk $0xffff, v7  }
0x22: {  	v63 =	vor.u32 $0xE1, v0;
	v4 =	vadd.f32 v17, v4;
	[tilespmem:v58+s17+$0x0] =	vst.idx.msk $0xffff, v6  }
0x23: {  	v3 =	vadd.f32 v18, v3;
	[tilespmem:v59+s17+$0x0] =	vst.idx.msk $0xffff, v5  }
0x24: {  	v2 =	vadd.f32 v17, v2;
	[tilespmem:v60+s17+$0x0] =	vst.idx.msk $0xffff, v4  }
0x25: {  	s18 =	sadd.s32 $0x1, s18;
	v1 =	vadd.f32 v18, v1;
	[tilespmem:v61+s17+$0x0] =	vst.idx.msk $0xffff, v3  }
0x26: {  	p0 =	sne.s32 s18, s9;
	[tilespmem:v62+s17+$0x0] =	vst.idx.msk $0xffff, v2  }
.Ltmp1:
0x27: {  	[tilespmem:v63+s17+$0x0] =	vst.idx.msk $0xffff, v1;
	(pc) =	sbr.rel @!p0 .LBB2_5-.Ltmp1, $4  }
0x28: {  	[hbm4b:s8+s3] =	stream.linear.scatter [tilespmem:s17], [sflag:$0x9], $0x100, $0x38;
	[tilespmem:$0x16120] =	vst v63  }
0x29: {  	_ =	swait.ge [sflag:s11], $0x100  }
0x2a: {  	[sflag:s11] =	ssyncset.done $0x0  }
0x2b: {  	[sflag:s11] =	ssyncadd.s32 $0xFFFFFF00  }
.LBB2_1:
0x2c: {  	[spmem:s10], [sflag:s6] =	dma.local [hbm:s5], $0x1F00  }
0x2d: {  	_ =	swait.ge [sflag:s11], $0x1F00  }
0x2e: {  	[sflag:s11] =	ssyncset.done $0x0  }
0x2f: {  	s19 =	simm.s32 $0x1000;
	[sflag:s11] =	ssyncadd.s32 $0xFFFFE100  }
0x30: {  	[tilespmem:s3], [sflag:$0x9] =	stream.strided.gather [hbm4b:s7+s12], $0x6400, s19, s12, $0x38;
	[tilespmem:$0x16120] =	vst v63  }
0x31: {  	_ =	swait.ge [sflag:s11], $0x6400  }
0x32: {  	[sflag:s11] =	ssyncset.done $0x0  }
0x33: {  	s22 =	simm.s32 $0x6800;
	[sflag:s11] =	ssyncadd.s32 $0xFFFF9C00  }
0x34: {  	[tilespmem:s22], [sflag:$0x9] =	stream.linear.gather [hbm4b:s4+s3], $0x20, $0x38;
	[tilespmem:$0x16120] =	vst v63  }
0x35: {  	_ =	swait.ge [sflag:s11], $0x20  }
0x36: {  	[sflag:s11] =	ssyncset.done $0x0  }
0x37: {  	[sflag:s11] =	ssyncadd.s32 $0xFFFFFFE0  }
0x38: {  	s23 =	simm.s32 $0x6400;
	[bflag:$0x0] =	sbarrier.arrive $0xFFFF  }
0x39: {  	[tilespmem:s23], [sflag:$0x1] =	stream.indirect.gather [spmem:s1], $0x1, s3, s12, $0xb8;
	[tilespmem:$0x16120] =	vst v63  }
0x3a: {  	s20 =	simm.s32 $0x6480  }
0x3b: {  	[tilespmem:s20], [sflag:$0x2] =	stream.indirect.gather [spmem:s1], $0x1, s12, s12, $0xb8;
	[tilespmem:$0x16120] =	vst v63  }
0x3c: {  	s21 =	simm.s32 $0x100;
	s20 =	simm.s32 $0x6500  }
0x3d: {  	[tilespmem:s20], [sflag:$0x3] =	stream.indirect.gather [spmem:s1], $0x1, s21, s12, $0xb8;
	[tilespmem:$0x16120] =	vst v63  }
0x3e: {  	s22 =	simm.s32 $0x180;
	s23 =	simm.s32 $0x6580  }
0x3f: {  	[tilespmem:s23], [sflag:$0x4] =	stream.indirect.gather [spmem:s1], $0x1, s22, s12, $0xb8;
	[tilespmem:$0x16120] =	vst v63  }
0x40: {  	s21 =	simm.s32 $0x200;
	s22 =	simm.s32 $0x6600  }
0x41: {  	[tilespmem:s22], [sflag:$0x5] =	stream.indirect.gather [spmem:s1], $0x1, s21, s12, $0xb8;
	[tilespmem:$0x16120] =	vst v63  }
0x42: {  	v1 =	vimm.f32 $0.0e+00;
	s23 =	simm.s32 $0x280  }
0x43: {  	v2 =	vimm.f32 $0.0e+00;
	v3 =	vimm.f32 $0.0e+00;
	v4 =	vimm.f32 $0.0e+00;
	[tilespmem:s24], [sflag:$0x6] =	stream.indirect.gather [spmem:s1], $0x1, s23, s12, $0xb8;
	[tilespmem:$0x16120] =	vst v63  }
0x44: {  	v5 =	vimm.f32 $0.0e+00;
	v6 =	vimm.f32 $0.0e+00;
	v7 =	vimm.f32 $0.0e+00  }
0x45: {  	v8 =	vimm.f32 $0.0e+00;
	v9 =	vimm.f32 $0.0e+00;
	v10 =	vimm.f32 $0.0e+00;
	[tilespmem:s26], [sflag:$0x7] =	stream.indirect.gather [spmem:s1], $0x1, s25, s12, $0xb8;
	[tilespmem:$0x16120] =	vst v63  }
0x46: {  	v11 =	vimm.f32 $0.0e+00;
	v12 =	vimm.f32 $0.0e+00;
	v13 =	vimm.f32 $0.0e+00;
	s19 =	simm.s32 $0x0  }
0x47: {  	v14 =	vimm.f32 $0.0e+00;
	v15 =	vimm.f32 $0.0e+00;
	v16 =	vimm.f32 $0.0e+00;
	[tilespmem:s29], [sflag:$0x8] =	stream.indirect.gather [spmem:s1], $0x1, s28, s12, $0xb8;
	[tilespmem:$0x16120] =	vst v63  }
.LBB2_2:
0x48: {  	_ =	swait.ge [sflag:s30], $0x80  }
0x49: {  	[sflag:s30] =	ssyncset.done $0x0  }
0x4a: {  	[sflag:s30] =	ssyncadd.s32 $0xFFFFFF80  }
0x4b: {  	v17 =	vld [tilespmem:$0x6400]  }
0x4c: {  	v18 =	vld [tilespmem:$0x6410]  }
0x4d: {  	v19 =	vld [tilespmem:$0x6420]  }
0x4e: {  	v20 =	vld [tilespmem:$0x6430]  }
0x4f: {  	p0 =	seq.s32 s19, $0x18000;
	v21 =	vld [tilespmem:$0x6440]  }
0x50: {  	s21 =	sshra.s32 @!p0 s19, $0x2;
	v22 =	vld [tilespmem:$0x6450]  }
0x51: {  	s20 =	simm.s32 @!p0 $0x80;
	s23 =	simm.s32 @!p0 $0x6400;
	s22 =	sadd.s32 @!p0 $0x400, s21;
	v24 =	vld [tilespmem:$0x6470]  }
0x52: {  	v23 =	vld [tilespmem:$0x6460];
	[tilespmem:s23], [sflag:$0x1] =	stream.indirect.gather @!p0 [spmem:s1], $0x1, s22, s20, $0xb8  }
0x53: {  	_ =	swait.ge [sflag:s31], $0x80  }
0x54: {  	[sflag:s31] =	ssyncset.done $0x0  }
0x55: {  	[sflag:s31] =	ssyncadd.s32 $0xFFFFFF80;
	v28 =	vunpack.i.u.bf16.f32 v17;
	v17 =	vunpack.i.l.bf16.f32 v17  }
0x56: {  	v26 =	vld [tilespmem:$0x6490];
	v62 =	vunpack.i.u.bf16.f32 v24;
	v16 =	vadd.f32 v17, v16;
	v15 =	vadd.f32 v28, v15  }
0x57: {  	v27 =	vld [tilespmem:$0x64A0];
	v17 =	vunpack.i.l.bf16.f32 v18;
	v18 =	vunpack.i.u.bf16.f32 v18;
	v1 =	vadd.f32 v62, v1  }
0x58: {  	v29 =	vld [tilespmem:$0x64B0];
	v14 =	vadd.f32 v17, v14;
	v17 =	vunpack.i.l.bf16.f32 v19;
	v13 =	vadd.f32 v18, v13  }
0x59: {  	v60 =	vld [tilespmem:$0x64C0];
	v18 =	vunpack.i.u.bf16.f32 v19;
	v19 =	vunpack.i.l.bf16.f32 v20;
	v12 =	vadd.f32 v17, v12  }
0x5a: {  	v30 =	vld [tilespmem:$0x64D0];
	v11 =	vadd.f32 v18, v11;
	v18 =	vunpack.i.u.bf16.f32 v20;
	v10 =	vadd.f32 v19, v10  }
0x5b: {  	v19 =	vunpack.i.u.bf16.f32 v21;
	v9 =	vadd.f32 v18, v9;
	v18 =	vunpack.i.l.bf16.f32 v21  }
0x5c: {  	v7 =	vadd.f32 v19, v7;
	v19 =	vunpack.i.u.bf16.f32 v22;
	v31 =	vunpack.i.u.bf16.f32 v26  }
0x5d: {  	v25 =	vld [tilespmem:$0x6480];
	v32 =	vunpack.i.l.bf16.f32 v26;
	v34 =	vunpack.i.l.bf16.f32 v27;
	v36 =	vunpack.i.u.bf16.f32 v27  }
0x5e: {  	s22 =	sadd.s32 @!p0 $0x480, s21;
	s23 =	simm.s32 @!p0 $0x6480;
	v61 =	vld [tilespmem:$0x64F0];
	v37 =	vunpack.i.l.bf16.f32 v29;
	v39 =	vunpack.i.u.bf16.f32 v29;
	v41 =	vunpack.i.u.bf16.f32 v60  }
0x5f: {  	v17 =	vld [tilespmem:$0x64E0];
	[tilespmem:s23], [sflag:$0x2] =	stream.indirect.gather @!p0 [spmem:s1], $0x1, s22, s20, $0xb8;
	v42 =	vunpack.i.l.bf16.f32 v60;
	v44 =	vunpack.i.l.bf16.f32 v30;
	v8 =	vadd.f32 v18, v8  }
0x60: {  	_ =	swait.ge [sflag:s0], $0x80;
	v45 =	vunpack.i.u.bf16.f32 v30;
	v5 =	vadd.f32 v19, v5;
	v14 =	vadd.f32 v32, v14  }
0x61: {  	v18 =	vunpack.i.l.bf16.f32 v22;
	[sflag:s0] =	ssyncset.done $0x0;
	v13 =	vadd.f32 v31, v13;
	v12 =	vadd.f32 v34, v12  }
0x62: {  	v19 =	vunpack.i.l.bf16.f32 v23;
	v11 =	vadd.f32 v36, v11;
	v10 =	vadd.f32 v37, v10;
	[sflag:s0] =	ssyncadd.s32 $0xFFFFFF80  }
0x63: {  	v20 =	vunpack.i.l.bf16.f32 v61;
	v6 =	vadd.f32 v18, v6;
	v4 =	vadd.f32 v19, v4;
	v19 =	vld [tilespmem:$0x6500]  }
0x64: {  	v18 =	vunpack.i.u.bf16.f32 v23;
	v9 =	vadd.f32 v39, v9;
	v7 =	vadd.f32 v41, v7;
	v63 =	vld [tilespmem:$0x6510]  }
0x65: {  	v3 =	vadd.f32 v18, v3;
	v18 =	vunpack.i.l.bf16.f32 v24;
	v33 =	vld [tilespmem:$0x6530];
	v8 =	vadd.f32 v42, v8  }
0x66: {  	v35 =	vld [tilespmem:$0x6540];
	v5 =	vadd.f32 v45, v5;
	v2 =	vadd.f32 v18, v2;
	v18 =	vunpack.i.l.bf16.f32 v25  }
0x67: {  	v38 =	vld [tilespmem:$0x6550];
	v25 =	vunpack.i.u.bf16.f32 v25;
	v6 =	vadd.f32 v44, v6;
	v46 =	vunpack.i.l.bf16.f32 v17  }
0x68: {  	v40 =	vld [tilespmem:$0x6560];
	v17 =	vunpack.i.u.bf16.f32 v17;
	v16 =	vadd.f32 v18, v16;
	v15 =	vadd.f32 v25, v15  }
0x69: {  	s22 =	sadd.s32 @!p0 $0x500, s21;
	s23 =	simm.s32 @!p0 $0x6500;
	v43 =	vld [tilespmem:$0x6570];
	v4 =	vadd.f32 v46, v4;
	v3 =	vadd.f32 v17, v3;
	v17 =	vunpack.i.u.bf16.f32 v61  }
0x6a: {  	v18 =	vld [tilespmem:$0x6520];
	[tilespmem:s23], [sflag:$0x3] =	stream.indirect.gather @!p0 [spmem:s1], $0x1, s22, s20, $0xb8;
	v2 =	vadd.f32 v20, v2;
	v1 =	vadd.f32 v17, v1  }
0x6b: {  	_ =	swait.ge [sflag:s2], $0x80;
	v17 =	vunpack.i.l.bf16.f32 v19;
	v19 =	vunpack.i.u.bf16.f32 v19;
	v24 =	vunpack.i.u.bf16.f32 v33  }
0x6c: {  	[sflag:s2] =	ssyncset.done $0x0;
	v23 =	vunpack.i.u.bf16.f32 v35;
	v51 =	vunpack.i.u.bf16.f32 v38;
	v52 =	vunpack.i.l.bf16.f32 v38  }
0x6d: {  	[sflag:s2] =	ssyncadd.s32 $0xFFFFFF80;
	v54 =	vunpack.i.l.bf16.f32 v40;
	v21 =	vunpack.i.u.bf16.f32 v40;
	v16 =	vadd.f32 v17, v16  }
0x6e: {  	v55 =	vunpack.i.l.bf16.f32 v43;
	v47 =	vld [tilespmem:$0x6580];
	v15 =	vadd.f32 v19, v15;
	v9 =	vadd.f32 v24, v9  }
0x6f: {  	v56 =	vunpack.i.u.bf16.f32 v43;
	v48 =	vld [tilespmem:$0x6590];
	v7 =	vadd.f32 v23, v7;
	v6 =	vadd.f32 v52, v6  }
0x70: {  	v17 =	vunpack.i.l.bf16.f32 v63;
	v49 =	vld [tilespmem:$0x65B0];
	v5 =	vadd.f32 v51, v5;
	v4 =	vadd.f32 v54, v4  }
0x71: {  	v19 =	vunpack.i.u.bf16.f32 v63;
	v50 =	vld [tilespmem:$0x65D0];
	v3 =	vadd.f32 v21, v3;
	v2 =	vadd.f32 v55, v2  }
0x72: {  	v53 =	vld [tilespmem:$0x65F0];
	v13 =	vadd.f32 v19, v13;
	v19 =	vunpack.i.u.bf16.f32 v18;
	v18 =	vunpack.i.l.bf16.f32 v18  }
0x73: {  	v14 =	vadd.f32 v17, v14;
	v17 =	vld [tilespmem:$0x65A0];
	v12 =	vadd.f32 v18, v12;
	v18 =	vunpack.i.l.bf16.f32 v33  }
0x74: {  	s22 =	sadd.s32 @!p0 $0x580, s21;
	s23 =	simm.s32 @!p0 $0x6580;
	v11 =	vadd.f32 v19, v11;
	v19 =	vld [tilespmem:$0x65C0];
	v10 =	vadd.f32 v18, v10;
	v18 =	vunpack.i.l.bf16.f32 v35  }
0x75: {  	v1 =	vadd.f32 v56, v1;
	v8 =	vadd.f32 v18, v8;
	v18 =	vld [tilespmem:$0x65E0];
	[tilespmem:s23], [sflag:$0x4] =	stream.indirect.gather @!p0 [spmem:s1], $0x1, s22, s20, $0xb8;
	v57 =	vunpack.i.u.bf16.f32 v47  }
0x76: {  	_ =	swait.ge [sflag:s13], $0x80;
	v20 =	vunpack.i.l.bf16.f32 v47;
	v58 =	vunpack.i.l.bf16.f32 v48;
	v60 =	vunpack.i.u.bf16.f32 v48  }
0x77: {  	v22 =	vunpack.i.l.bf16.f32 v49;
	[sflag:s13] =	ssyncset.done $0x0;
	v16 =	vadd.f32 v20, v16;
	v15 =	vadd.f32 v57, v15  }
0x78: {  	v14 =	vadd.f32 v58, v14;
	v61 =	vunpack.i.l.bf16.f32 v17;
	v17 =	vunpack.i.u.bf16.f32 v17;
	[sflag:s13] =	ssyncadd.s32 $0xFFFFFF80  }
0x79: {  	v13 =	vadd.f32 v60, v13;
	v11 =	vadd.f32 v17, v11;
	v17 =	vunpack.i.u.bf16.f32 v49;
	v59 =	vld [tilespmem:$0x6600]  }
0x7a: {  	v10 =	vadd.f32 v22, v10;
	v62 =	vld [tilespmem:$0x6610];
	v9 =	vadd.f32 v17, v9;
	v17 =	vunpack.i.l.bf16.f32 v19  }
0x7b: {  	v12 =	vadd.f32 v61, v12;
	v63 =	vld [tilespmem:$0x6620];
	v19 =	vunpack.i.u.bf16.f32 v19;
	v8 =	vadd.f32 v17, v8  }
0x7c: {  	v30 =	vld [tilespmem:$0x6630];
	v17 =	vunpack.i.l.bf16.f32 v50;
	v7 =	vadd.f32 v19, v7;
	v19 =	vunpack.i.u.bf16.f32 v50  }
0x7d: {  	v31 =	vld [tilespmem:$0x6640];
	v5 =	vadd.f32 v19, v5;
	v19 =	vunpack.i.u.bf16.f32 v18;
	v18 =	vunpack.i.l.bf16.f32 v18  }
0x7e: {  	v32 =	vld [tilespmem:$0x6650];
	v6 =	vadd.f32 v17, v6;
	v4 =	vadd.f32 v18, v4  }
0x7f: {  	s22 =	sadd.s32 @!p0 $0x600, s21;
	s23 =	simm.s32 @!p0 $0x6600;
	v33 =	vld [tilespmem:$0x6670];
	v3 =	vadd.f32 v19, v3;
	v18 =	vunpack.i.l.bf16.f32 v53;
	v19 =	vunpack.i.u.bf16.f32 v53  }
0x80: {  	v17 =	vld [tilespmem:$0x6660];
	[tilespmem:s23], [sflag:$0x5] =	stream.indirect.gather @!p0 [spmem:s1], $0x1, s22, s20, $0xb8;
	v2 =	vadd.f32 v18, v2;
	v1 =	vadd.f32 v19, v1  }
0x81: {  	_ =	swait.ge [sflag:s14], $0x80;
	v18 =	vunpack.i.l.bf16.f32 v59;
	v19 =	vunpack.i.u.bf16.f32 v59;
	v20 =	vunpack.i.u.bf16.f32 v63  }
0x82: {  	[sflag:s14] =	ssyncset.done $0x0;
	v35 =	vunpack.i.u.bf16.f32 v30;
	v36 =	vunpack.i.u.bf16.f32 v31;
	v22 =	vunpack.i.l.bf16.f32 v31  }
0x83: {  	[sflag:s14] =	ssyncadd.s32 $0xFFFFFF80;
	v38 =	vunpack.i.l.bf16.f32 v32;
	v16 =	vadd.f32 v18, v16;
	v15 =	vadd.f32 v19, v15  }
0x84: {  	v40 =	vunpack.i.u.bf16.f32 v32;
	v11 =	vadd.f32 v20, v11;
	v9 =	vadd.f32 v35, v9;
	v42 =	vld [tilespmem:$0x66D0]  }
0x85: {  	v44 =	vunpack.i.l.bf16.f32 v33;
	v8 =	vadd.f32 v22, v8;
	v7 =	vadd.f32 v36, v7;
	v43 =	vld [tilespmem:$0x66E0]  }
0x86: {  	v19 =	vunpack.i.l.bf16.f32 v62;
	v6 =	vadd.f32 v38, v6;
	v5 =	vadd.f32 v40, v5;
	v45 =	vld [tilespmem:$0x66F0]  }
0x87: {  	v18 =	vunpack.i.u.bf16.f32 v62;
	v2 =	vadd.f32 v44, v2;
	v14 =	vadd.f32 v19, v14;
	v19 =	vld [tilespmem:$0x6680]  }
0x88: {  	v13 =	vadd.f32 v18, v13;
	v18 =	vunpack.i.l.bf16.f32 v63;
	v41 =	vunpack.i.l.bf16.f32 v17  }
0x89: {  	v34 =	vld [tilespmem:$0x6690];
	v17 =	vunpack.i.u.bf16.f32 v17;
	v12 =	vadd.f32 v18, v12;
	v18 =	vunpack.i.l.bf16.f32 v30  }
0x8a: {  	v3 =	vadd.f32 v17, v3;
	v17 =	vunpack.i.u.bf16.f32 v33;
	v10 =	vadd.f32 v18, v10;
	v18 =	vld [tilespmem:$0x66A0]  }
0x8b: {  	s22 =	sadd.s32 @!p0 $0x680, s21;
	s23 =	simm.s32 @!p0 $0x6680;
	v37 =	vld [tilespmem:$0x66B0];
	v4 =	vadd.f32 v41, v4;
	v1 =	vadd.f32 v17, v1;
	v47 =	vunpack.i.l.bf16.f32 v42  }
0x8c: {  	v39 =	vld [tilespmem:$0x66C0];
	[tilespmem:s23], [sflag:$0x6] =	stream.indirect.gather @!p0 [spmem:s1], $0x1, s22, s20, $0xb8;
	v20 =	vunpack.i.u.bf16.f32 v43;
	v51 =	vunpack.i.u.bf16.f32 v45;
	v17 =	vunpack.i.l.bf16.f32 v19  }
0x8d: {  	_ =	swait.ge [sflag:s15], $0x80;
	v19 =	vunpack.i.u.bf16.f32 v19;
	v6 =	vadd.f32 v47, v6;
	v16 =	vadd.f32 v17, v16  }
0x8e: {  	[sflag:s15] =	ssyncset.done $0x0;
	v17 =	vunpack.i.l.bf16.f32 v34;
	v15 =	vadd.f32 v19, v15;
	v19 =	vunpack.i.u.bf16.f32 v34  }
0x8f: {  	[sflag:s15] =	ssyncadd.s32 $0xFFFFFF80;
	v14 =	vadd.f32 v17, v14;
	v17 =	vunpack.i.u.bf16.f32 v18;
	v18 =	vunpack.i.l.bf16.f32 v18  }
0x90: {  	v46 =	vld [tilespmem:$0x6710];
	v13 =	vadd.f32 v19, v13;
	v19 =	vunpack.i.u.bf16.f32 v37;
	v12 =	vadd.f32 v18, v12  }
0x91: {  	v11 =	vadd.f32 v17, v11;
	v17 =	vunpack.i.l.bf16.f32 v37;
	v18 =	vld [tilespmem:$0x6700];
	v9 =	vadd.f32 v19, v9  }
0x92: {  	v49 =	vld [tilespmem:$0x6740];
	v19 =	vunpack.i.u.bf16.f32 v39;
	v10 =	vadd.f32 v17, v10;
	v17 =	vunpack.i.l.bf16.f32 v39  }
0x93: {  	v7 =	vadd.f32 v19, v7;
	v19 =	vunpack.i.u.bf16.f32 v42;
	v8 =	vadd.f32 v17, v8;
	v17 =	vld [tilespmem:$0x6720]  }
0x94: {  	v3 =	vadd.f32 v20, v3;
	v50 =	vld [tilespmem:$0x6750];
	v5 =	vadd.f32 v19, v5;
	v19 =	vunpack.i.l.bf16.f32 v43  }
0x95: {  	v1 =	vadd.f32 v51, v1;
	v48 =	vld [tilespmem:$0x6730];
	v4 =	vadd.f32 v19, v4;
	v19 =	vunpack.i.l.bf16.f32 v45  }
0x96: {  	s21 =	sadd.s32 @!p0 $0x700, s21;
	s22 =	simm.s32 @!p0 $0x6700;
	v53 =	vld [tilespmem:$0x6770];
	v54 =	vunpack.i.u.bf16.f32 v46;
	v52 =	vunpack.i.u.bf16.f32 v18;
	v18 =	vunpack.i.l.bf16.f32 v18  }
0x97: {  	v2 =	vadd.f32 v19, v2;
	v19 =	vld [tilespmem:$0x6760];
	[tilespmem:s22], [sflag:$0x7] =	stream.indirect.gather @!p0 [spmem:s1], $0x1, s21, s20, $0xb8;
	v16 =	vadd.f32 v18, v16;
	v18 =	vunpack.i.l.bf16.f32 v46  }
0x98: {  	v55 =	vunpack.i.u.bf16.f32 v49;
	_ =	swait.ge [sflag:s16], $0x80;
	v14 =	vadd.f32 v18, v14;
	v18 =	vunpack.i.l.bf16.f32 v17  }
0x99: {  	v56 =	vunpack.i.u.bf16.f32 v50;
	[sflag:s16] =	ssyncset.done $0x0;
	v17 =	vunpack.i.u.bf16.f32 v17;
	v12 =	vadd.f32 v18, v12  }
0x9a: {  	[sflag:s16] =	ssyncadd.s32 $0xFFFFFF80;
	v11 =	vadd.f32 v17, v11;
	v17 =	vunpack.i.u.bf16.f32 v48;
	v18 =	vunpack.i.l.bf16.f32 v48  }
0x9b: {  	v10 =	vadd.f32 v18, v10;
	v9 =	vadd.f32 v17, v9;
	v17 =	vunpack.i.l.bf16.f32 v49;
	v18 =	vld [tilespmem:$0x6780]  }
0x9c: {  	v13 =	vadd.f32 v54, v13;
	v8 =	vadd.f32 v17, v8;
	v17 =	vunpack.i.l.bf16.f32 v50  }
0x9d: {  	v60 =	vunpack.i.u.bf16.f32 v53;
	v7 =	vadd.f32 v55, v7;
	v6 =	vadd.f32 v17, v6;
	v17 =	vld [tilespmem:$0x6790]  }
0x9e: {  	v5 =	vadd.f32 v56, v5;
	v58 =	vld [tilespmem:$0x67A0];
	v57 =	vunpack.i.u.bf16.f32 v19;
	v19 =	vunpack.i.l.bf16.f32 v19  }
0x9f: {  	v1 =	vadd.f32 v60, v1;
	v59 =	vld [tilespmem:$0x67B0];
	v4 =	vadd.f32 v19, v4;
	v19 =	vunpack.i.l.bf16.f32 v53  }
0xa0: {  	v15 =	vadd.f32 v52, v15;
	v61 =	vld [tilespmem:$0x67D0];
	v2 =	vadd.f32 v19, v2;
	v19 =	vunpack.i.l.bf16.f32 v18  }
0xa1: {  	v3 =	vadd.f32 v57, v3;
	v18 =	vunpack.i.u.bf16.f32 v18;
	v16 =	vadd.f32 v19, v16;
	v19 =	vld [tilespmem:$0x67C0]  }
0xa2: {  	v15 =	vadd.f32 v18, v15;
	v18 =	vunpack.i.u.bf16.f32 v17;
	v17 =	vunpack.i.l.bf16.f32 v17  }
0xa3: {  	v14 =	vadd.f32 v17, v14;
	v13 =	vadd.f32 v18, v13;
	v17 =	vunpack.i.l.bf16.f32 v58;
	v18 =	vld [tilespmem:$0x67E0]  }
0xa4: {  	v21 =	vunpack.i.u.bf16.f32 v58;
	v12 =	vadd.f32 v17, v12;
	v17 =	vunpack.i.l.bf16.f32 v59  }
0xa5: {  	v20 =	vunpack.i.u.bf16.f32 v59;
	v63 =	vunpack.i.u.bf16.f32 v61;
	v10 =	vadd.f32 v17, v10;
	v17 =	vld [tilespmem:$0x67F0]  }
0xa6: {  	v11 =	vadd.f32 v21, v11;
	v62 =	vunpack.i.u.bf16.f32 v19;
	v19 =	vunpack.i.l.bf16.f32 v19  }
.Ltmp2:
0xa7: {  	v9 =	vadd.f32 v20, v9;
	v8 =	vadd.f32 v19, v8;
	v19 =	vunpack.i.l.bf16.f32 v61;
	(pc) =	sbr.rel @p0 .LBB2_4-.Ltmp2, $4  }
0xa8: {  	v5 =	vadd.f32 v63, v5;
	v6 =	vadd.f32 v19, v6;
	v19 =	vunpack.i.l.bf16.f32 v18  }
0xa9: {  	v7 =	vadd.f32 v62, v7;
	v18 =	vunpack.i.u.bf16.f32 v18;
	v4 =	vadd.f32 v19, v4  }
0xaa: {  	v3 =	vadd.f32 v18, v3;
	v18 =	vunpack.i.u.bf16.f32 v17;
	v17 =	vunpack.i.l.bf16.f32 v17  }
0xab: {  	v2 =	vadd.f32 v17, v2;
	v1 =	vadd.f32 v18, v1  }
.Ltmp3:
0xac: {  	(pc) =	sbr.rel .LBB2_2-.Ltmp3, $4  }
0xad: {  	_ = 	snop  }
0xae: {  	s20 =	sshra.s32 s19, $0x2  }
0xaf: {  	s19 =	sadd.s32 $0x1000, s19;
	s20 =	sadd.s32 $0x780, s20  }
0xb0: {  	[tilespmem:s29], [sflag:$0x8] =	stream.indirect.gather [spmem:s1], $0x1, s20, s12, $0xb8;
	[tilespmem:$0x16120] =	vst v63  }
.LBB2_5:
0xb1: {  	_ =	sfence.sel $0x180000  }
0xb2: {  	[bflag:$0x0] =	sbarrier.arrive $0xFFFF  }
0xb3: {  	_ =	strace $0x90000047  }
0xb4: {  	s0 =	stileid.u32;
	[bflag:$0x2] =	sbarrier.arrive $0xFFFF  }
0xb5: {  	p0 =	sne.s32 s0, $0x0;
	s0 =	rddreg [dreg:$0x3]  }
0xb6: {  	s0 =	sadd.s32 @!p0 $0x100000, s0  }
0xb7: {  	[sflag:s0] =	ssyncadd.tile.s32 @!p0 $0x1;
	_ =	shalt  }
.Lfunc_end2:
_tile_overlayer_lowered:
.L_overlay_start_2:
0xb8: {  	(tag) =	ssettag $0x2  }
0xb9: {  	s0 =	rddreg [dreg:$0x0];
	s2 =	stileid.u32  }
0xba: {  	s1 =	rddreg [dreg:$0x1];
	p0 =	sne.s32 s2, $0x0  }
0xbb: {  	s3 =	rddreg [dreg:$0x2];
	[bflag:$0x3] =	sbarrier.arrive $0xFFFF;
	s2 =	simm.s32 @!p0 $0x1C09  }
0xbc: {  	[timem:s3], [sflag:s2] =	dma.local @!p0 [hbm:s0], s1  }
0xbd: {  	s0 =	simm.s32 @!p0 $0x9  }
0xbe: {  	_ =	swait.ge @!p0 [sflag:s0], s1  }
0xbf: {  	s1 =	ssub.s32 @!p0 $0x0, s1;
	[sflag:s0] =	ssyncset.done @!p0 $0x0  }
0xc0: {  	[sflag:s0] =	ssyncadd.s32 @!p0 s1  }
0xc1: {  	[bflag:$0x3] =	sbarrier.arrive $0xFFFF  }
0xc2: {  	_ =	shalt  }

</sc_bundles>
